<compile_context>
chip_gen: v7x
topology: tpu7x:2x2x1
jax: 0.10.2.dev20260603
libtpu: 0.0.44.dev20260713+nightly
codegen_flags: <defaults>
</compile_context>

<pallas_src>
import functools

import jax
import jax.numpy as jnp
from jax import lax
from jax.experimental import pallas as pl
from jax.experimental.pallas import tpu as pltpu
from jax.experimental.pallas import tpu_sc as plsc

_BATCH = 16384
_D = 512
_TPAD = 1024

_NC = 2
_NS = 16
_NW = _NC * _NS
_ROWS_PER_W = _BATCH // _NW
_CHUNK = 64
_K = _ROWS_PER_W // _CHUNK


def _mlp_body(w1_ref, b1_ref, w2_ref, b2_ref, o_ref):
    steps = lax.broadcasted_iota(jnp.int32, (_TPAD, 64), 0).astype(jnp.float32)
    dims = lax.broadcasted_iota(jnp.int32, (_TPAD, 64), 1).astype(jnp.float32)
    t = steps * 10.0 ** (dims * 4.0 / 63.0)
    x = jnp.concatenate([jnp.sin(t), jnp.cos(t)], axis=1)
    h = jnp.dot(x, w1_ref[...], preferred_element_type=jnp.float32) + b1_ref[...]
    h = h * jax.nn.sigmoid(h)
    o = jnp.dot(h, w2_ref[...], preferred_element_type=jnp.float32) + b2_ref[...]
    o_ref[...] = o * jax.nn.sigmoid(o)


def _tc_mlp(W1, b1, W2, b2):
    return pl.pallas_call(
        _mlp_body,
        out_shape=jax.ShapeDtypeStruct((_TPAD, _D), jnp.float32),
    )(W1, b1, W2, b2)


def _gather_body(table_hbm, idx_hbm, out_hbm, idx_v,
                 rows0, rows1, gsem0, gsem1, wsem0, wsem1):
    wid = lax.axis_index("s") * _NC + lax.axis_index("c")
    base = wid * _ROWS_PER_W
    pltpu.sync_copy(idx_hbm.at[pl.ds(base, _ROWS_PER_W)], idx_v)

    def gath(c, buf, sem):
        return pltpu.async_copy(
            table_hbm.at[idx_v.at[pl.ds(c * _CHUNK, _CHUNK)]], buf, sem)

    def wr(c, buf, sem):
        return pltpu.async_copy(
            buf, out_hbm.at[pl.ds(base + c * _CHUNK, _CHUNK)], sem)

    bufs = (rows0, rows1)
    gsems = (gsem0, gsem1)
    g = [None, None]
    for j in range(_K):
        b = j % 2
        if g[b] is not None:
            g[b].wait()
        g[b] = gath(j, bufs[b], gsems[b])
    g[0].wait()
    g[1].wait()
    w = wr(_K - 1, bufs[0], wsem0)
    w.wait()


def _sc_gather(final_table, idx):
    mesh = plsc.VectorSubcoreMesh(core_axis_name="c", subcore_axis_name="s")
    k = functools.partial(
        pl.kernel,
        mesh=mesh,
        out_type=jax.ShapeDtypeStruct((_BATCH, _D), jnp.float32),
        scratch_types=[
            pltpu.VMEM((_ROWS_PER_W,), jnp.int32),
            pltpu.VMEM((_CHUNK, _D), jnp.float32),
            pltpu.VMEM((_CHUNK, _D), jnp.float32),
            pltpu.SemaphoreType.DMA,
            pltpu.SemaphoreType.DMA,
            pltpu.SemaphoreType.DMA,
            pltpu.SemaphoreType.DMA,
        ],
    )(_gather_body)
    return k(final_table, idx)


def kernel(diffusion_step, W1, b1, W2, b2):
    final_table = _tc_mlp(W1, b1, W2, b2)
    return _sc_gather(final_table, diffusion_step.astype(jnp.int32))

# --- scband reference (transcript-rebuilt; emitter-appended) ---
"""Pipeline reference for scband-diffusion-embedding-23184233464613 (READ-ONLY COPY).

The authoritative reference and input builder live on the scoring server;
editing this copy changes nothing except your own understanding.
"""

import jax, jax.numpy as jnp
import numpy as np

MAX_STEPS = 1000
BATCH = 16384


def _build_embedding(max_steps):
    steps = jnp.arange(max_steps, dtype=jnp.float32)[:, None]
    dims = jnp.arange(64, dtype=jnp.float32)[None, :]
    table = steps * 10.0 ** (dims * 4.0 / 63.0)
    table = jnp.concatenate([jnp.sin(table), jnp.cos(table)], axis=1)
    return table  # [max_steps, 128]


def _silu(x):
    return x * jax.nn.sigmoid(x)


def setup_inputs(seed: int = 0) -> dict:
    key = jax.random.key(seed)
    k1, k2, k3, k4, k5 = jax.random.split(key, 5)
    diffusion_step = jax.random.randint(k1, (BATCH,), 0, MAX_STEPS, dtype=jnp.int64 if jax.config.jax_enable_x64 else jnp.int32)
    # Dense(512) applied to 128-dim embedding, then Dense(512) on 512
    W1 = jax.random.normal(k2, (128, 512), dtype=jnp.float32) * (1.0 / np.sqrt(128.0))
    b1 = jnp.zeros((512,), dtype=jnp.float32)
    W2 = jax.random.normal(k3, (512, 512), dtype=jnp.float32) * (1.0 / np.sqrt(512.0))
    b2 = jnp.zeros((512,), dtype=jnp.float32)
    return {"diffusion_step": diffusion_step, "W1": W1, "b1": b1, "W2": W2, "b2": b2}


def reference(diffusion_step, W1, b1, W2, b2):
    table = _build_embedding(MAX_STEPS)
    x = jnp.take(table, diffusion_step, axis=0)  # gather: [B, 128]
    x = _silu(x @ W1 + b1)
    x = _silu(x @ W2 + b2)
    return x

if __name__ == "__main__":
    import jax
    _d = setup_inputs()
    print(jax.jit(kernel)(*tuple(_d.values())))

</pallas_src>

<mosaic_0001>
#map = affine_map<(d0, d1) -> (0, 0)>
#map1 = affine_map<(d0, d1) -> (0)>
module attributes {stable_mosaic.version = 14 : i64} {
  func.func @_gather_body(%arg0: i32, %arg1: i32, %arg2: memref<1024x512xf32, #tpu.memory_space<hbm>>, %arg3: memref<16384xi32, #tpu.memory_space<hbm>>, %arg4: memref<16384x512xf32, #tpu.memory_space<hbm>>, %arg5: memref<512xi32, #tpu.memory_space<vmem>>, %arg6: memref<64x512xf32, #tpu.memory_space<vmem>>, %arg7: memref<64x512xf32, #tpu.memory_space<vmem>>, %arg8: memref<!tpu.dma_semaphore, #tpu.memory_space<semaphore_mem>>, %arg9: memref<!tpu.dma_semaphore, #tpu.memory_space<semaphore_mem>>, %arg10: memref<!tpu.dma_semaphore, #tpu.memory_space<semaphore_mem>>, %arg11: memref<!tpu.dma_semaphore, #tpu.memory_space<semaphore_mem>>) attributes {dimension_semantics = [#tpu.dimension_semantics<core_parallel>, #tpu.dimension_semantics<subcore_parallel>], iteration_bounds = array<i64: 2, 16>, scalar_prefetch = 0 : i64, scratch_operands = 7 : i64, tpu.core_type = #tpu.core_type<sc_vector_subcore>, window_params = [{transform_indices = #map}, {transform_indices = #map1}, {transform_indices = #map}]} {
    %mul3A = arith.constant 2 : i32
    %mul3A_0 = arith.muli %arg1, %mul3A : i32
    %add3A = arith.addi %mul3A_0, %arg0 : i32
    %mul3A_1 = arith.constant 512 : i32
    %mul3A_2 = arith.muli %add3A, %mul3A_1 : i32
    "tpu.region"() ({
      %run_scoped3A = tpu.sem_alloc : memref<!tpu.dma_semaphore, #tpu.memory_space<semaphore_mem>>
      %dma_start3A_91 = tpu.memref_slice %arg3[%mul3A_2] : memref<16384xi32, #tpu.memory_space<hbm>> -> memref<512xi32, #tpu.memory_space<hbm>>
      %dma_start3A_92 = tpu.memref_slice %arg3[%mul3A_2] : memref<16384xi32, #tpu.memory_space<hbm>> -> memref<512xi32, #tpu.memory_space<hbm>>
      tpu.enqueue_dma source(%dma_start3A_92 : memref<512xi32, #tpu.memory_space<hbm>>) target(%arg5 : memref<512xi32, #tpu.memory_space<vmem>>) target_semaphore(%run_scoped3A : memref<!tpu.dma_semaphore, #tpu.memory_space<semaphore_mem>>)
      %dma_wait3A_93 = tpu.memref_slice %arg3[%mul3A_2] : memref<16384xi32, #tpu.memory_space<hbm>> -> memref<512xi32, #tpu.memory_space<hbm>>
      %dma_wait3A_94 = tpu.memref_slice %arg3[%mul3A_2] : memref<16384xi32, #tpu.memory_space<hbm>> -> memref<512xi32, #tpu.memory_space<hbm>>
      tpu.wait_dma2 semaphore(%run_scoped3A : memref<!tpu.dma_semaphore, #tpu.memory_space<semaphore_mem>>) src(%dma_wait3A_94 : memref<512xi32, #tpu.memory_space<hbm>>) dst(%arg5 : memref<512xi32, #tpu.memory_space<vmem>>)
      tpu.yield
    }) : () -> ()
    %dma_start3A = arith.constant 0 : i32
    %dma_start3A_3 = tpu.memref_slice %arg5[%dma_start3A] : memref<512xi32, #tpu.memory_space<vmem>> -> memref<64xi32, #tpu.memory_space<vmem>>
    %dma_start3A_4 = arith.constant 0 : i32
    %dma_start3A_5 = arith.constant 0 : i32
    %dma_start3A_6 = tpu.memref_slice %arg2[%dma_start3A_4, %dma_start3A_5] : memref<1024x512xf32, #tpu.memory_space<hbm>> -> memref<1024x512xf32, #tpu.memory_space<hbm>>
    tpu.enqueue_indirect_dma source(%dma_start3A_6 : memref<1024x512xf32, #tpu.memory_space<hbm>>) target(%arg6 : memref<64x512xf32, #tpu.memory_space<vmem>>) offsets(%dma_start3A_3 : memref<64xi32, #tpu.memory_space<vmem>>) semaphore(%arg8 : memref<!tpu.dma_semaphore, #tpu.memory_space<semaphore_mem>>)
    %dma_start3A_7 = arith.constant 64 : i32
    %dma_start3A_8 = tpu.memref_slice %arg5[%dma_start3A_7] : memref<512xi32, #tpu.memory_space<vmem>> -> memref<64xi32, #tpu.memory_space<vmem>>
    %dma_start3A_9 = arith.constant 0 : i32
    %dma_start3A_10 = arith.constant 0 : i32
    %dma_start3A_11 = tpu.memref_slice %arg2[%dma_start3A_9, %dma_start3A_10] : memref<1024x512xf32, #tpu.memory_space<hbm>> -> memref<1024x512xf32, #tpu.memory_space<hbm>>
    tpu.enqueue_indirect_dma source(%dma_start3A_11 : memref<1024x512xf32, #tpu.memory_space<hbm>>) target(%arg7 : memref<64x512xf32, #tpu.memory_space<vmem>>) offsets(%dma_start3A_8 : memref<64xi32, #tpu.memory_space<vmem>>) semaphore(%arg9 : memref<!tpu.dma_semaphore, #tpu.memory_space<semaphore_mem>>)
    %dma_wait3A = arith.constant 0 : i32
    %dma_wait3A_12 = tpu.memref_slice %arg5[%dma_wait3A] : memref<512xi32, #tpu.memory_space<vmem>> -> memref<64xi32, #tpu.memory_space<vmem>>
    %dma_wait3A_13 = arith.constant 0 : i32
    %dma_wait3A_14 = arith.constant 0 : i32
    %dma_wait3A_15 = tpu.memref_slice %arg2[%dma_wait3A_13, %dma_wait3A_14] : memref<1024x512xf32, #tpu.memory_space<hbm>> -> memref<1024x512xf32, #tpu.memory_space<hbm>>
    tpu.wait_indirect_dma semaphore(%arg8 : memref<!tpu.dma_semaphore, #tpu.memory_space<semaphore_mem>>) src(%dma_wait3A_15 : memref<1024x512xf32, #tpu.memory_space<hbm>>) dst(%arg6 : memref<64x512xf32, #tpu.memory_space<vmem>>)
    %dma_start3A_16 = arith.constant 128 : i32
    %dma_start3A_17 = tpu.memref_slice %arg5[%dma_start3A_16] : memref<512xi32, #tpu.memory_space<vmem>> -> memref<64xi32, #tpu.memory_space<vmem>>
    %dma_start3A_18 = arith.constant 0 : i32
    %dma_start3A_19 = arith.constant 0 : i32
    %dma_start3A_20 = tpu.memref_slice %arg2[%dma_start3A_18, %dma_start3A_19] : memref<1024x512xf32, #tpu.memory_space<hbm>> -> memref<1024x512xf32, #tpu.memory_space<hbm>>
    tpu.enqueue_indirect_dma source(%dma_start3A_20 : memref<1024x512xf32, #tpu.memory_space<hbm>>) target(%arg6 : memref<64x512xf32, #tpu.memory_space<vmem>>) offsets(%dma_start3A_17 : memref<64xi32, #tpu.memory_space<vmem>>) semaphore(%arg8 : memref<!tpu.dma_semaphore, #tpu.memory_space<semaphore_mem>>)
    %dma_wait3A_21 = arith.constant 64 : i32
    %dma_wait3A_22 = tpu.memref_slice %arg5[%dma_wait3A_21] : memref<512xi32, #tpu.memory_space<vmem>> -> memref<64xi32, #tpu.memory_space<vmem>>
    %dma_wait3A_23 = arith.constant 0 : i32
    %dma_wait3A_24 = arith.constant 0 : i32
    %dma_wait3A_25 = tpu.memref_slice %arg2[%dma_wait3A_23, %dma_wait3A_24] : memref<1024x512xf32, #tpu.memory_space<hbm>> -> memref<1024x512xf32, #tpu.memory_space<hbm>>
    tpu.wait_indirect_dma semaphore(%arg9 : memref<!tpu.dma_semaphore, #tpu.memory_space<semaphore_mem>>) src(%dma_wait3A_25 : memref<1024x512xf32, #tpu.memory_space<hbm>>) dst(%arg7 : memref<64x512xf32, #tpu.memory_space<vmem>>)
    %dma_start3A_26 = arith.constant 192 : i32
    %dma_start3A_27 = tpu.memref_slice %arg5[%dma_start3A_26] : memref<512xi32, #tpu.memory_space<vmem>> -> memref<64xi32, #tpu.memory_space<vmem>>
    %dma_start3A_28 = arith.constant 0 : i32
    %dma_start3A_29 = arith.constant 0 : i32
    %dma_start3A_30 = tpu.memref_slice %arg2[%dma_start3A_28, %dma_start3A_29] : memref<1024x512xf32, #tpu.memory_space<hbm>> -> memref<1024x512xf32, #tpu.memory_space<hbm>>
    tpu.enqueue_indirect_dma source(%dma_start3A_30 : memref<1024x512xf32, #tpu.memory_space<hbm>>) target(%arg7 : memref<64x512xf32, #tpu.memory_space<vmem>>) offsets(%dma_start3A_27 : memref<64xi32, #tpu.memory_space<vmem>>) semaphore(%arg9 : memref<!tpu.dma_semaphore, #tpu.memory_space<semaphore_mem>>)
    %dma_wait3A_31 = arith.constant 128 : i32
    %dma_wait3A_32 = tpu.memref_slice %arg5[%dma_wait3A_31] : memref<512xi32, #tpu.memory_space<vmem>> -> memref<64xi32, #tpu.memory_space<vmem>>
    %dma_wait3A_33 = arith.constant 0 : i32
    %dma_wait3A_34 = arith.constant 0 : i32
    %dma_wait3A_35 = tpu.memref_slice %arg2[%dma_wait3A_33, %dma_wait3A_34] : memref<1024x512xf32, #tpu.memory_space<hbm>> -> memref<1024x512xf32, #tpu.memory_space<hbm>>
    tpu.wait_indirect_dma semaphore(%arg8 : memref<!tpu.dma_semaphore, #tpu.memory_space<semaphore_mem>>) src(%dma_wait3A_35 : memref<1024x512xf32, #tpu.memory_space<hbm>>) dst(%arg6 : memref<64x512xf32, #tpu.memory_space<vmem>>)
    %dma_start3A_36 = arith.constant 256 : i32
    %dma_start3A_37 = tpu.memref_slice %arg5[%dma_start3A_36] : memref<512xi32, #tpu.memory_space<vmem>> -> memref<64xi32, #tpu.memory_space<vmem>>
    %dma_start3A_38 = arith.constant 0 : i32
    %dma_start3A_39 = arith.constant 0 : i32
    %dma_start3A_40 = tpu.memref_slice %arg2[%dma_start3A_38, %dma_start3A_39] : memref<1024x512xf32, #tpu.memory_space<hbm>> -> memref<1024x512xf32, #tpu.memory_space<hbm>>
    tpu.enqueue_indirect_dma source(%dma_start3A_40 : memref<1024x512xf32, #tpu.memory_space<hbm>>) target(%arg6 : memref<64x512xf32, #tpu.memory_space<vmem>>) offsets(%dma_start3A_37 : memref<64xi32, #tpu.memory_space<vmem>>) semaphore(%arg8 : memref<!tpu.dma_semaphore, #tpu.memory_space<semaphore_mem>>)
    %dma_wait3A_41 = arith.constant 192 : i32
    %dma_wait3A_42 = tpu.memref_slice %arg5[%dma_wait3A_41] : memref<512xi32, #tpu.memory_space<vmem>> -> memref<64xi32, #tpu.memory_space<vmem>>
    %dma_wait3A_43 = arith.constant 0 : i32
    %dma_wait3A_44 = arith.constant 0 : i32
    %dma_wait3A_45 = tpu.memref_slice %arg2[%dma_wait3A_43, %dma_wait3A_44] : memref<1024x512xf32, #tpu.memory_space<hbm>> -> memref<1024x512xf32, #tpu.memory_space<hbm>>
    tpu.wait_indirect_dma semaphore(%arg9 : memref<!tpu.dma_semaphore, #tpu.memory_space<semaphore_mem>>) src(%dma_wait3A_45 : memref<1024x512xf32, #tpu.memory_space<hbm>>) dst(%arg7 : memref<64x512xf32, #tpu.memory_space<vmem>>)
    %dma_start3A_46 = arith.constant 320 : i32
    %dma_start3A_47 = tpu.memref_slice %arg5[%dma_start3A_46] : memref<512xi32, #tpu.memory_space<vmem>> -> memref<64xi32, #tpu.memory_space<vmem>>
    %dma_start3A_48 = arith.constant 0 : i32
    %dma_start3A_49 = arith.constant 0 : i32
    %dma_start3A_50 = tpu.memref_slice %arg2[%dma_start3A_48, %dma_start3A_49] : memref<1024x512xf32, #tpu.memory_space<hbm>> -> memref<1024x512xf32, #tpu.memory_space<hbm>>
    tpu.enqueue_indirect_dma source(%dma_start3A_50 : memref<1024x512xf32, #tpu.memory_space<hbm>>) target(%arg7 : memref<64x512xf32, #tpu.memory_space<vmem>>) offsets(%dma_start3A_47 : memref<64xi32, #tpu.memory_space<vmem>>) semaphore(%arg9 : memref<!tpu.dma_semaphore, #tpu.memory_space<semaphore_mem>>)
    %dma_wait3A_51 = arith.constant 256 : i32
    %dma_wait3A_52 = tpu.memref_slice %arg5[%dma_wait3A_51] : memref<512xi32, #tpu.memory_space<vmem>> -> memref<64xi32, #tpu.memory_space<vmem>>
    %dma_wait3A_53 = arith.constant 0 : i32
    %dma_wait3A_54 = arith.constant 0 : i32
    %dma_wait3A_55 = tpu.memref_slice %arg2[%dma_wait3A_53, %dma_wait3A_54] : memref<1024x512xf32, #tpu.memory_space<hbm>> -> memref<1024x512xf32, #tpu.memory_space<hbm>>
    tpu.wait_indirect_dma semaphore(%arg8 : memref<!tpu.dma_semaphore, #tpu.memory_space<semaphore_mem>>) src(%dma_wait3A_55 : memref<1024x512xf32, #tpu.memory_space<hbm>>) dst(%arg6 : memref<64x512xf32, #tpu.memory_space<vmem>>)
    %dma_start3A_56 = arith.constant 384 : i32
    %dma_start3A_57 = tpu.memref_slice %arg5[%dma_start3A_56] : memref<512xi32, #tpu.memory_space<vmem>> -> memref<64xi32, #tpu.memory_space<vmem>>
    %dma_start3A_58 = arith.constant 0 : i32
    %dma_start3A_59 = arith.constant 0 : i32
    %dma_start3A_60 = tpu.memref_slice %arg2[%dma_start3A_58, %dma_start3A_59] : memref<1024x512xf32, #tpu.memory_space<hbm>> -> memref<1024x512xf32, #tpu.memory_space<hbm>>
    tpu.enqueue_indirect_dma source(%dma_start3A_60 : memref<1024x512xf32, #tpu.memory_space<hbm>>) target(%arg6 : memref<64x512xf32, #tpu.memory_space<vmem>>) offsets(%dma_start3A_57 : memref<64xi32, #tpu.memory_space<vmem>>) semaphore(%arg8 : memref<!tpu.dma_semaphore, #tpu.memory_space<semaphore_mem>>)
    %dma_wait3A_61 = arith.constant 320 : i32
    %dma_wait3A_62 = tpu.memref_slice %arg5[%dma_wait3A_61] : memref<512xi32, #tpu.memory_space<vmem>> -> memref<64xi32, #tpu.memory_space<vmem>>
    %dma_wait3A_63 = arith.constant 0 : i32
    %dma_wait3A_64 = arith.constant 0 : i32
    %dma_wait3A_65 = tpu.memref_slice %arg2[%dma_wait3A_63, %dma_wait3A_64] : memref<1024x512xf32, #tpu.memory_space<hbm>> -> memref<1024x512xf32, #tpu.memory_space<hbm>>
    tpu.wait_indirect_dma semaphore(%arg9 : memref<!tpu.dma_semaphore, #tpu.memory_space<semaphore_mem>>) src(%dma_wait3A_65 : memref<1024x512xf32, #tpu.memory_space<hbm>>) dst(%arg7 : memref<64x512xf32, #tpu.memory_space<vmem>>)
    %dma_start3A_66 = arith.constant 448 : i32
    %dma_start3A_67 = tpu.memref_slice %arg5[%dma_start3A_66] : memref<512xi32, #tpu.memory_space<vmem>> -> memref<64xi32, #tpu.memory_space<vmem>>
    %dma_start3A_68 = arith.constant 0 : i32
    %dma_start3A_69 = arith.constant 0 : i32
    %dma_start3A_70 = tpu.memref_slice %arg2[%dma_start3A_68, %dma_start3A_69] : memref<1024x512xf32, #tpu.memory_space<hbm>> -> memref<1024x512xf32, #tpu.memory_space<hbm>>
    tpu.enqueue_indirect_dma source(%dma_start3A_70 : memref<1024x512xf32, #tpu.memory_space<hbm>>) target(%arg7 : memref<64x512xf32, #tpu.memory_space<vmem>>) offsets(%dma_start3A_67 : memref<64xi32, #tpu.memory_space<vmem>>) semaphore(%arg9 : memref<!tpu.dma_semaphore, #tpu.memory_space<semaphore_mem>>)
    %dma_wait3A_71 = arith.constant 384 : i32
    %dma_wait3A_72 = tpu.memref_slice %arg5[%dma_wait3A_71] : memref<512xi32, #tpu.memory_space<vmem>> -> memref<64xi32, #tpu.memory_space<vmem>>
    %dma_wait3A_73 = arith.constant 0 : i32
    %dma_wait3A_74 = arith.constant 0 : i32
    %dma_wait3A_75 = tpu.memref_slice %arg2[%dma_wait3A_73, %dma_wait3A_74] : memref<1024x512xf32, #tpu.memory_space<hbm>> -> memref<1024x512xf32, #tpu.memory_space<hbm>>
    tpu.wait_indirect_dma semaphore(%arg8 : memref<!tpu.dma_semaphore, #tpu.memory_space<semaphore_mem>>) src(%dma_wait3A_75 : memref<1024x512xf32, #tpu.memory_space<hbm>>) dst(%arg6 : memref<64x512xf32, #tpu.memory_space<vmem>>)
    %dma_wait3A_76 = arith.constant 448 : i32
    %dma_wait3A_77 = tpu.memref_slice %arg5[%dma_wait3A_76] : memref<512xi32, #tpu.memory_space<vmem>> -> memref<64xi32, #tpu.memory_space<vmem>>
    %dma_wait3A_78 = arith.constant 0 : i32
    %dma_wait3A_79 = arith.constant 0 : i32
    %dma_wait3A_80 = tpu.memref_slice %arg2[%dma_wait3A_78, %dma_wait3A_79] : memref<1024x512xf32, #tpu.memory_space<hbm>> -> memref<1024x512xf32, #tpu.memory_space<hbm>>
    tpu.wait_indirect_dma semaphore(%arg9 : memref<!tpu.dma_semaphore, #tpu.memory_space<semaphore_mem>>) src(%dma_wait3A_80 : memref<1024x512xf32, #tpu.memory_space<hbm>>) dst(%arg7 : memref<64x512xf32, #tpu.memory_space<vmem>>)
    %add3A_81 = arith.constant 448 : i32
    %add3A_82 = arith.addi %mul3A_2, %add3A_81 : i32
    %dma_start3A_83 = arith.constant 0 : i32
    %dma_start3A_84 = tpu.memref_slice %arg4[%add3A_82, %dma_start3A_83] : memref<16384x512xf32, #tpu.memory_space<hbm>> -> memref<64x512xf32, #tpu.memory_space<hbm>>
    %dma_start3A_85 = arith.constant 0 : i32
    %dma_start3A_86 = tpu.memref_slice %arg4[%add3A_82, %dma_start3A_85] : memref<16384x512xf32, #tpu.memory_space<hbm>> -> memref<64x512xf32, #tpu.memory_space<hbm>>
    tpu.enqueue_dma source(%arg6 : memref<64x512xf32, #tpu.memory_space<vmem>>) target(%dma_start3A_86 : memref<64x512xf32, #tpu.memory_space<hbm>>) target_semaphore(%arg10 : memref<!tpu.dma_semaphore, #tpu.memory_space<semaphore_mem>>)
    %dma_wait3A_87 = arith.constant 0 : i32
    %dma_wait3A_88 = tpu.memref_slice %arg4[%add3A_82, %dma_wait3A_87] : memref<16384x512xf32, #tpu.memory_space<hbm>> -> memref<64x512xf32, #tpu.memory_space<hbm>>
    %dma_wait3A_89 = arith.constant 0 : i32
    %dma_wait3A_90 = tpu.memref_slice %arg4[%add3A_82, %dma_wait3A_89] : memref<16384x512xf32, #tpu.memory_space<hbm>> -> memref<64x512xf32, #tpu.memory_space<hbm>>
    tpu.wait_dma2 semaphore(%arg10 : memref<!tpu.dma_semaphore, #tpu.memory_space<semaphore_mem>>) src(%arg6 : memref<64x512xf32, #tpu.memory_space<vmem>>) dst(%dma_wait3A_90 : memref<64x512xf32, #tpu.memory_space<hbm>>)
    return
  }
}

module attributes {stable_mosaic.version = 14 : i64} {
  func.func @_mlp_body(%arg0: memref<128x512xf32, #tpu.memory_space<vmem>>, %arg1: memref<512xf32, #tpu.memory_space<vmem>>, %arg2: memref<512x512xf32, #tpu.memory_space<vmem>>, %arg3: memref<512xf32, #tpu.memory_space<vmem>>, %arg4: memref<1024x512xf32, #tpu.memory_space<vmem>>) attributes {dimension_semantics = [], scalar_prefetch = 0 : i64, scratch_operands = 0 : i64, tpu.core_type = #tpu.core_type<tc>} {
    %iota3A = tpu.iota {dimensions = array<i32: 0>} : vector<1024x64xi32>
    %convert_element_type3A = arith.sitofp %iota3A : vector<1024x64xi32> to vector<1024x64xf32>
    %iota3A_0 = tpu.iota {dimensions = array<i32: 1>} : vector<1024x64xi32>
    %convert_element_type3A_1 = arith.sitofp %iota3A_0 : vector<1024x64xi32> to vector<1024x64xf32>
    %mul3A = arith.constant 4.000000e+00 : f32
    %mul3A_2 = vector.broadcast %mul3A : f32 to vector<1024x64xf32>
    %mul3A_3 = arith.mulf %convert_element_type3A_1, %mul3A_2 : vector<1024x64xf32>
    %div3A = arith.constant 6.300000e+01 : f32
    %div3A_4 = vector.broadcast %div3A : f32 to vector<1024x64xf32>
    %div3A_5 = arith.divf %mul3A_3, %div3A_4 : vector<1024x64xf32>
    %pow3A = arith.constant 1.000000e+01 : f32
    %pow3A_6 = vector.broadcast %pow3A : f32 to vector<1024x64xf32>
    %pow3A_7 = math.powf %pow3A_6, %div3A_5 : vector<1024x64xf32>
    %mul3A_8 = arith.mulf %convert_element_type3A, %pow3A_7 : vector<1024x64xf32>
    %sin3A = math.sin %mul3A_8 : vector<1024x64xf32>
    %cos3A = math.cos %mul3A_8 : vector<1024x64xf32>
    %concatenate3A = tpu.concatenate %sin3A, %cos3A in 1 : vector<1024x64xf32>, vector<1024x64xf32> -> vector<1024x128xf32>
    %get3A = arith.constant 0 : index
    %get3A_9 = arith.constant 0 : index
    %get3A_10 = vector.load %arg0[%get3A, %get3A_9] : memref<128x512xf32, #tpu.memory_space<vmem>>, vector<128x512xf32>
    %dot_general3A = arith.constant dense<0.000000e+00> : vector<1024x512xf32>
    %dot_general3A_11 = tpu.matmul %concatenate3A, %get3A_10, %dot_general3A {dimension_numbers = #tpu.dot_dimension_numbers<[1], [0], [0], [1], [0, 0, 1, 1], [], []>, transpose_lhs_hint = false} : vector<1024x128xf32>, vector<128x512xf32>, vector<1024x512xf32> -> vector<1024x512xf32>
    %get3A_12 = arith.constant 0 : index
    %get3A_13 = vector.load %arg1[%get3A_12] : memref<512xf32, #tpu.memory_space<vmem>>, vector<512xf32>
    %broadcast_in_dim3A = vector.shape_cast %get3A_13 : vector<512xf32> to vector<1x512xf32>
    %add3A = vector.broadcast %broadcast_in_dim3A : vector<1x512xf32> to vector<1024x512xf32>
    %add3A_14 = arith.addf %dot_general3A_11, %add3A : vector<1024x512xf32>
    %logistic3A = arith.negf %add3A_14 : vector<1024x512xf32>
    %logistic3A_15 = math.exp %logistic3A : vector<1024x512xf32>
    %logistic3A_16 = arith.constant 1.000000e+00 : f32
    %logistic3A_17 = vector.broadcast %logistic3A_16 : f32 to vector<1024x512xf32>
    %logistic3A_18 = arith.addf %logistic3A_17, %logistic3A_15 : vector<1024x512xf32>
    %logistic3A_19 = arith.divf %logistic3A_17, %logistic3A_18 : vector<1024x512xf32>
    %mul3A_20 = arith.mulf %add3A_14, %logistic3A_19 : vector<1024x512xf32>
    %get3A_21 = arith.constant 0 : index
    %get3A_22 = arith.constant 0 : index
    %get3A_23 = vector.load %arg2[%get3A_21, %get3A_22] : memref<512x512xf32, #tpu.memory_space<vmem>>, vector<512x512xf32>
    %dot_general3A_24 = arith.constant dense<0.000000e+00> : vector<1024x512xf32>
    %dot_general3A_25 = tpu.matmul %mul3A_20, %get3A_23, %dot_general3A_24 {dimension_numbers = #tpu.dot_dimension_numbers<[1], [0], [0], [1], [0, 0, 1, 1], [], []>, transpose_lhs_hint = false} : vector<1024x512xf32>, vector<512x512xf32>, vector<1024x512xf32> -> vector<1024x512xf32>
    %get3A_26 = arith.constant 0 : index
    %get3A_27 = vector.load %arg3[%get3A_26] : memref<512xf32, #tpu.memory_space<vmem>>, vector<512xf32>
    %broadcast_in_dim3A_28 = vector.shape_cast %get3A_27 : vector<512xf32> to vector<1x512xf32>
    %add3A_29 = vector.broadcast %broadcast_in_dim3A_28 : vector<1x512xf32> to vector<1024x512xf32>
    %add3A_30 = arith.addf %dot_general3A_25, %add3A_29 : vector<1024x512xf32>
    %logistic3A_31 = arith.negf %add3A_30 : vector<1024x512xf32>
    %logistic3A_32 = math.exp %logistic3A_31 : vector<1024x512xf32>
    %logistic3A_33 = arith.constant 1.000000e+00 : f32
    %logistic3A_34 = vector.broadcast %logistic3A_33 : f32 to vector<1024x512xf32>
    %logistic3A_35 = arith.addf %logistic3A_34, %logistic3A_32 : vector<1024x512xf32>
    %logistic3A_36 = arith.divf %logistic3A_34, %logistic3A_35 : vector<1024x512xf32>
    %mul3A_37 = arith.mulf %add3A_30, %logistic3A_36 : vector<1024x512xf32>
    %swap3A = arith.constant 0 : index
    %swap3A_38 = arith.constant 0 : index
    %swap3A_39 = vector.load %arg4[%swap3A, %swap3A_38] : memref<1024x512xf32, #tpu.memory_space<vmem>>, vector<1024x512xf32>
    tpu.vector_store %arg4[%swap3A, %swap3A_38], %mul3A_37 {strides = array<i32>} : memref<1024x512xf32, #tpu.memory_space<vmem>>, vector<1024x512xf32>,
    return
  }
}

</mosaic_0001>

<sc_bundles>
// kernel: kernel.4.cloned.1.call-start
scs
__scs_entry_jumppad:
0x0: {  	(pc) =	sbr.rel $0x88, $3  }
0x1: {  	(tag) =	ssettag $0x0;
	lr =	simm.s32 $0x1  }
0x2: {  	[smem:$0x3F9C] =	sst lr;
	_ =	strace $0xD0000000  }
0x3: {  	_ = 	snop  }
0x4: {  	_ = 	snop  }
0x5: {  	_ = 	snop  }
0x6: {  	_ = 	snop  }
0x7: {  	_ = 	snop  }
__scs_overlays_trampoline_lowered:
0x8: {  	[smem:$0x3FAB] =	sst s0  }
0x9: {  	[smem:$0x3FAC] =	sst s1  }
0xa: {  	[smem:$0x3FAD] =	sst s2  }
0xb: {  	[smem:$0x3FAE] =	sst s3  }
0xc: {  	[smem:$0x3FAF] =	sst s4  }
0xd: {  	[smem:$0x3FB0] =	sst s5  }
0xe: {  	[smem:$0x3FB1] =	sst s6  }
0xf: {  	[smem:$0x3FB2] =	sst s7  }
0x10: {  	[smem:$0x3FB3] =	sst s8  }
0x11: {  	[smem:$0x3FB4] =	sst s9;
	s0 =	simm.s32 @!p0 $0x0  }
0x12: {  	s1 =	sld [smem:$0x3F9A];
	s0 =	simm.s32 @p0 $0x1  }
0x13: {  	[smem:$0x3FB5] =	sst s0;
	s0 =	simm.s32 @!p1 $0x0  }
0x14: {  	s2 =	sld [smem:$0x3F99];
	s0 =	simm.s32 @p1 $0x1  }
0x15: {  	[smem:$0x3FB6] =	sst s0;
	s0 =	simm.s32 @!p2 $0x0  }
0x16: {  	s3 =	sld [smem:$0x3FDB];
	s0 =	simm.s32 @p2 $0x1  }
0x17: {  	s4 =	simm.s32 $0x1BF5;
	[smem:$0x3FB8] =	sst s0  }
0x18: {  	s0 =	sld [smem:$0x3F9B];
	_ =	swait.ge [sflag:s4], $0x0  }
0x19: {  	s7 =	sld [smem:$0x3F9C]  }
0x1a: {  	s8 =	sadd.s32 $0xFFFFE003, lr  }
0x1b: {  	s9 =	sadd.s32 $0xFFFFFEF7, lr;
	s5 =	simm.s32 $0xFFFFFFFF;
	p2 =	slt.u32 s8, $0xFFFFF086  }
0x1c: {  	p1 =	slt.u32 s9, $0xF7A;
	s5 =	simm.s32 @!p2 $0x0  }
0x1d: {  	s5 =	simm.s32 @p1 $0x1;
	p0 =	seq.s32 s7, s2  }
0x1e: {  	s7 =	smul.u32 @!p0 $0xF7A, s2;
	p2 =	seq.s32 @!p0 s5, $0x0  }
0x1f: {  	s9 =	smul.u32 $0xF7A, s1;
	s8 =	simm.s32 @!p0 $0x1BF5;
	p2 =	por !p2, p0  }
0x20: {  	[sflag:s8] =	ssyncset.s32 @!p0 $0xFFFFF086;
	s6 =	sadd.s32 @!p0 s3, s7;
	s7 =	simm.s32 @!p0 $0x108  }
0x21: {  	s3 =	sadd.s32 s3, s9;
	s6 =	sadd.s32 @!p0 $0x88, s6;
	s7 =	simm.s32 @p2 $0x1082  }
0x22: {  	[simem:s7], [sflag:s8] =	dma.local @!p0 [hbm:s6], $0xF7A  }
0x23: {  	s9 =	sor.u32 $0xD0000000, s2;
	s6 =	simm.s32 $0x108;
	_ =	swait.ge @!p0 [sflag:s8], $0x0  }
0x24: {  	s3 =	sadd.s32 $0x88, s3;
	s6 =	simm.s32 @!p1 $0x1082;
	[sflag:s4] =	ssyncset.s32 $0xFFFFF086  }
0x25: {  	[simem:s6], [sflag:s4] =	dma.local [hbm:s3], $0xF7A  }
0x26: {  	[smem:$0x3F9C] =	sst s1;
	(tag) =	ssettag s2;
	_ =	strace s9  }
0x27: {  	s1 =	sld [smem:$0x3FAC]  }
0x28: {  	s2 =	sld [smem:$0x3FAD]  }
0x29: {  	s4 =	sld [smem:$0x3FAF]  }
0x2a: {  	p0 =	seq.s32 s5, $0x0;
	s5 =	sld [smem:$0x3FB0]  }
0x2b: {  	s6 =	sld [smem:$0x3FB1]  }
0x2c: {  	s7 =	sld [smem:$0x3FB2]  }
0x2d: {  	s3 =	simm.s32 $0x108;
	s8 =	sld [smem:$0x3FB3]  }
0x2e: {  	s3 =	simm.s32 @!p0 $0x1082;
	s9 =	sld [smem:$0x3FB4]  }
0x2f: {  	lr =	sadd.s32 s0, s3;
	s0 =	sld [smem:$0x3FAB]  }
0x30: {  	s3 =	sld [smem:$0x3FAE]  }
0x31: {  	[smem:$0x3FB7] =	sst s10  }
0x32: {  	s10 =	sld [smem:$0x3FB5];
	_ =	sdelay $0x3  }
0x33: {  	p0 =	seq.s32 s10, $0x1;
	s10 =	sld [smem:$0x3FB7];
	_ =	sdelay $0x3  }
0x34: {  	[smem:$0x3FB7] =	sst s10  }
0x35: {  	s10 =	sld [smem:$0x3FB6];
	_ =	sdelay $0x3  }
0x36: {  	p1 =	seq.s32 s10, $0x1;
	s10 =	sld [smem:$0x3FB7];
	_ =	sdelay $0x3  }
0x37: {  	[smem:$0x3FB7] =	sst s10  }
0x38: {  	s10 =	sld [smem:$0x3FB8]  }
0x39: {  	_ = 	snop;
	(pc) =	sbr.ind lr, $3  }
0x3a: {  	_ = 	snop  }
0x3b: {  	_ = 	snop  }
0x3c: {  	p2 =	seq.s32 s10, $0x1;
	s10 =	sld [smem:$0x3FB7]  }
0x3d: {  	_ =	shalt  }
0x3e: {  	_ =	shalt  }
0x3f: {  	_ =	shalt  }
0x40: {  	_ =	shalt  }
0x41: {  	_ =	shalt  }
0x42: {  	_ =	shalt  }
0x43: {  	_ =	shalt  }
0x44: {  	_ =	shalt  }
0x45: {  	_ =	shalt  }
0x46: {  	_ =	shalt  }
0x47: {  	_ =	shalt  }
0x48: {  	_ =	shalt  }
0x49: {  	_ =	shalt  }
0x4a: {  	_ =	shalt  }
0x4b: {  	_ =	shalt  }
0x4c: {  	_ =	shalt  }
0x4d: {  	_ =	shalt  }
0x4e: {  	_ =	shalt  }
0x4f: {  	_ =	shalt  }
0x50: {  	_ =	shalt  }
0x51: {  	_ =	shalt  }
0x52: {  	_ =	shalt  }
0x53: {  	_ =	shalt  }
0x54: {  	_ =	shalt  }
0x55: {  	_ =	shalt  }
0x56: {  	_ =	shalt  }
0x57: {  	_ =	shalt  }
0x58: {  	_ =	shalt  }
0x59: {  	_ =	shalt  }
0x5a: {  	_ =	shalt  }
0x5b: {  	_ =	shalt  }
0x5c: {  	_ =	shalt  }
0x5d: {  	_ =	shalt  }
0x5e: {  	_ =	shalt  }
0x5f: {  	_ =	shalt  }
0x60: {  	_ =	shalt  }
0x61: {  	_ =	shalt  }
0x62: {  	_ =	shalt  }
0x63: {  	_ =	shalt  }
0x64: {  	_ =	shalt  }
0x65: {  	_ =	shalt  }
0x66: {  	_ =	shalt  }
0x67: {  	_ =	shalt  }
0x68: {  	_ =	shalt  }
0x69: {  	_ =	shalt  }
0x6a: {  	_ =	shalt  }
0x6b: {  	_ =	shalt  }
0x6c: {  	_ =	shalt  }
0x6d: {  	_ =	shalt  }
0x6e: {  	_ =	shalt  }
0x6f: {  	_ =	shalt  }
0x70: {  	_ =	shalt  }
0x71: {  	_ =	shalt  }
0x72: {  	_ =	shalt  }
0x73: {  	_ =	shalt  }
0x74: {  	_ =	shalt  }
0x75: {  	_ =	shalt  }
0x76: {  	_ =	shalt  }
0x77: {  	_ =	shalt  }
0x78: {  	_ =	shalt  }
0x79: {  	_ =	shalt  }
0x7a: {  	_ =	shalt  }
0x7b: {  	_ =	shalt  }
0x7c: {  	_ =	shalt  }
0x7d: {  	_ =	shalt  }
0x7e: {  	_ =	shalt  }
0x7f: {  	_ =	shalt  }
0x80: {  	_ =	shalt  }
0x81: {  	_ =	shalt  }
0x82: {  	_ =	shalt  }
0x83: {  	_ =	shalt  }
0x84: {  	_ =	shalt  }
0x85: {  	_ =	shalt  }
0x86: {  	_ =	shalt  }
0x87: {  	_ =	shalt  }
.Lfunc_end0:
.L_simem_size_0:
called_computation_lowered:
.L_overlay_start_0:
0x88: {  	s2 =	sld [smem:$0x3FD9]  }
0x89: {  	s3 =	sld [smem:$0x3FFE];
	_ =	sdelay $0x1  }
0x8a: {  	s1 =	srdreg.scid  }
0x8b: {  	s0 =	sand.u32 $0x1, s1  }
0x8c: {  	s17 =	sshll.u32 s0, $0xA;
	s2 =	sadd.s32 s3, s2  }
0x8d: {  	s2 =	sadd.s32 s2, s17  }
0x8e: {  	[smem:$0x3FC3] =	sst s2  }
0x8f: {  	_ = 	snop  }
0x90: {  	s2 =	sld [smem:$0x3FC9]  }
0x91: {  	s18 =	sld [smem:$0x3FD0];
	(tm) =	ssettm $0x1  }
0x92: {  	s4 =	sld [smem:$0x3FFB];
	_ =	sdelay $0x3  }
0x93: {  	_ =	strace s4  }
0x94: {  	s4 =	sld [smem:$0x3FFC];
	_ =	sdelay $0x3  }
0x95: {  	_ =	strace s4  }
0x96: {  	s4 =	sld [smem:$0x3FFD];
	_ =	sdelay $0x3  }
0x97: {  	_ =	strace s4  }
0x98: {  	_ =	strace $0x8FFFFFFF  }
0x99: {  	s19 =	sld [smem:$0x3FDB];
	_ =	sdelay $0x1  }
0x9a: {  	s5 =	simm.s32 $_scs_section_size  }
0x9b: {  	s6 =	simm.s32 $_size__tile_overlayer_lowered;
	s7 =	simm.s32 $_tile_overlayer_lowered  }
0x9c: {  	s22 =	simm.s32 $0x1BFF;
	s21 =	sshll.u32 s7, $0x1;
	s4 =	sadd.s32 s5, s19  }
0x9d: {  	s8 =	simm.s32 $0x0;
	s20 =	sshll.u32 s6, $0x1;
	s6 =	sadd.s32 s21, s4  }
0x9e: {  	[timem:s8], [sflag:s22] =	dma.local [hbm:s6], s20  }
0x9f: {  	_ =	swait.ge [sflag:s22], s20  }
0xa0: {  	s5 =	ssub.s32 $0x0, s20;
	[sflag:s22] =	ssyncset.done $0x0  }
0xa1: {  	[sflag:s22] =	ssyncadd.s32 s5;
	_ =	sdelay $0x1  }
0xa2: {  	s23 =	simm.s32 $0x1B8B  }
0xa3: {  	_ =	swait.ge [sflag:s23], $0x1  }
0xa4: {  	[sflag:s23] =	ssyncset.done $0x0  }
0xa5: {  	s25 =	simm.s32 $0x1B8E;
	s24 =	sld [smem:$0x3FFE];
	[sflag:s23] =	ssyncadd.s32 $0xFFFFFFFF  }
0xa6: {  	s26 =	simm.s32 $execute0_lowered;
	[smem:$0x3FD2] =	sst s25  }
0xa7: {  	s6 =	sshll.u32 s26, $0x1;
	_ =	strace $0x80000046;
	[dreg:$0x1] =	wrdreg $0xFFFFFFFF  }
0xa8: {  	s28 =	simm.s32 $_size_execute0_lowered;
	s4 =	sadd.s32 s4, s6;
	[dreg:$0x0] =	wrdreg $0x0  }
0xa9: {  	s6 =	sshll.u32 s28, $0x1;
	[dreg:$0x2] =	wrdreg s4  }
0xaa: {  	[dreg:$0x3] =	wrdreg s6  }
0xab: {  	[dreg:$0x4] =	wrdreg $0xC0  }
0xac: {  	_ =	task [dreg:s8], $0x5FFFF  }
0xad: {  	[dreg:$0x1] =	wrdreg $0xFFFFFFFF  }
0xae: {  	[dreg:$0x0] =	wrdreg $0x60  }
0xaf: {  	[dreg:$0x2] =	wrdreg s24  }
0xb0: {  	[dreg:$0x3] =	wrdreg s2  }
0xb1: {  	[dreg:$0x4] =	wrdreg s18  }
0xb2: {  	[dreg:$0x5] =	wrdreg $0x9  }
0xb3: {  	_ =	task.clear_ibuf [dreg:s8], $0x6FFFF;
	_ =	strace $0x90000046  }
0xb4: {  	s29 =	simm.s32 $0x9;
	_ =	strace $0x80000048  }
0xb5: {  	_ =	swait.ge [sflag:s29], $0x1  }
0xb6: {  	[sflag:s29] =	ssyncadd.s32 $0xFFFFFFFF  }
0xb7: {  	_ =	strace $0x90000048  }
0xb8: {  	_ =	sfence  }
0xb9: {  	s30 =	sld [smem:$0x0];
	_ =	sdelay $0x2  }
0xba: {  	s31 =	sshll.u32 s1, $0xD;
	s1 =	sshrl.u32 s1, $0x2  }
0xbb: {  	s3 =	sand.u32 $0x4000, s31;
	s1 =	sadd.s32 s1, s30  }
0xbc: {  	s0 =	sor.u32 s3, s0;
	s1 =	sshll.u32 s1, $0x11  }
0xbd: {  	s0 =	sor.u32 s1, s0  }
0xbe: {  	s0 =	sadd.s32 $0x8F2B, s0  }
0xbf: {  	[sflag:s0] =	ssyncadd.remote.s32 $0x1  }
0xc0: {  	_ =	sfence.sel $0xFFFF  }
0xc1: {  	[dreg:$0x0] =	wrdreg $0xFFFFFFFF;
	(pc) =	sbr.abs _section_cstart, $3  }
0xc2: {  	[dreg:$0x1] =	wrdreg $0xFFFFFFFF  }
0xc3: {  	_ =	task.clear_ibuf [dreg:s8], $0x2FFFF;
	_ =	strace $0x9FFFFFFF  }
0xc4: {  	(tm) =	ssettm $0x7FFFFFFF  }
0xc5: {  	_ =	shalt  }
tec
execute0_lowered:
.L_overlay_start_1:
0x0: {  	(tag) =	ssettag $0x1  }
0x1: {  	s0 =	rddreg [dreg:$0x0]  }
0x2: {  	s1 =	rddreg [dreg:$0x1]  }
0x3: {  	s4 =	rddreg [dreg:$0x2]  }
0x4: {  	s3 =	srdreg.scid;
	s2 =	simm.s32 $0x0;
	s6 =	stileid.u32  }
0x5: {  	s13 =	simm.s32 $0x1;
	s14 =	simm.s32 $0x2;
	s5 =	sand.u32 $0x1, s3  }
0x6: {  	[smem:$0x7FF] =	sst s2;
	s6 =	sshll.u32 s6, $0xA;
	s7 =	sshll.u32 s5, $0x9  }
0x7: {  	s3 =	sadd.s32 $0xE00, s0;
	_ =	strace $0x80000047;
	s6 =	sor.u32 s7, s6  }
0x8: {  	s5 =	ssub.s32 $0x2, s5;
	s7 =	sshrl.u32 s6, $0x3;
	s6 =	sshll.u32 s6, $0x6  }
0x9: {  	v2 =	vlaneseq.u32;
	s8 =	sshrl.u32 s5, $0x1;
	s1 =	sadd.s32 s1, s7;
	s4 =	sadd.s32 s6, s4  }
0xa: {  	vm0 =	vmmov $0xffff;
	v1 =	vshrl.u32 v2, $0x3;
	s5 =	ssub.s32 s5, s8;
	[dreg:$0x4] =	wrdreg s1;
	s31 =	sadd.s32 $0x7000, s4  }
0xb: {  	v0 =	vand.u32 $0x7, v2;
	v2 =	vor.u32 $0x8, v2;
	v1 =	vmul.u32 $0x8, v1;
	s5 =	smax.u32 s5, $0x1;
	s4 =	sadd.s32 $0xF00, s0;
	[dreg:$0x5] =	wrdreg s31  }
.LBB2_1:
0xc: {  	s15 =	rddreg [dreg:$0x4];
	s17 =	simm.s32 $0x4  }
0xd: {  	[tilespmem:s2], [sflag:$0x4] =	stream.linear.gather [hbm4b:s15+s2], $0x200, $0x38;
	[tilespmem:$0x10200] =	vst v63  }
0xe: {  	_ =	swait.ge [sflag:s17], $0x200  }
0xf: {  	[sflag:s17] =	ssyncset.done $0x0  }
0x10: {  	[sflag:s17] =	ssyncadd.s32 $0xFFFFFE00  }
0x11: {  	v3 =	vld [tilespmem:$0x0];
	_ =	sdelay $0x4  }
0x12: {  	v4 =	vshll.u32 v3, $0x2  }
0x13: {  	v3 =	vand.u32 $0x7, v3;
	v4 =	vand.u32 $0xFFFFFFE0, v4  }
0x14: {  	v3 =	vor.u32 v3, v4  }
0x15: {  	v4 =	vperm.xlane v3, v0;
	_ =	sdelay $0x1  }
0x16: {  	v4 =	vadd.s32 v1, v4;
	_ =	sdelay $0x1  }
0x17: {  	v3 =	vperm.xlane v3, v2;
	_ =	sdelay $0x1  }
0x18: {  	s0 =	simm.s32 $0x200;
	v3 =	vadd.s32 v1, v3  }
0x19: {  	[tilespmem:s0], [sflag:$0x1] =	stream.indirect_vreg.gather [hbm4b:s3+s2], $0x80, v4, vm0, $0xb8;
	[tilespmem:$0x10200] =	vst v63  }
0x1a: {  	s1 =	simm.s32 $0xA00  }
0x1b: {  	[tilespmem:s1], [sflag:$0x1] =	stream.indirect_vreg.gather [hbm4b:s4+s2], $0x80, v4, vm0, $0xb8;
	[tilespmem:$0x10200] =	vst v63  }
0x1c: {  	s18 =	simm.s32 $0x1200  }
0x1d: {  	[tilespmem:s18], [sflag:$0x1] =	stream.indirect_vreg.gather [hbm4b:s3+s2], $0x80, v3, vm0, $0xb8;
	[tilespmem:$0x10200] =	vst v63  }
0x1e: {  	s19 =	simm.s32 $0x1A00  }
0x1f: {  	[tilespmem:s19], [sflag:$0x1] =	stream.indirect_vreg.gather [hbm4b:s4+s2], $0x80, v3, vm0, $0xb8;
	[tilespmem:$0x10200] =	vst v63  }
0x20: {  	v3 =	vld [tilespmem:$0x10];
	_ =	sdelay $0x4  }
0x21: {  	v33 =	vshll.u32 v3, $0x2  }
0x22: {  	v3 =	vand.u32 $0x7, v3;
	v4 =	vand.u32 $0xFFFFFFE0, v33  }
0x23: {  	v3 =	vor.u32 v3, v4  }
0x24: {  	v4 =	vperm.xlane v3, v0;
	_ =	sdelay $0x1  }
0x25: {  	v4 =	vadd.s32 v1, v4;
	_ =	sdelay $0x1  }
0x26: {  	v3 =	vperm.xlane v3, v2;
	_ =	sdelay $0x1  }
0x27: {  	s20 =	simm.s32 $0x2200;
	v3 =	vadd.s32 v1, v3  }
0x28: {  	[tilespmem:s20], [sflag:$0x1] =	stream.indirect_vreg.gather [hbm4b:s3+s2], $0x80, v4, vm0, $0xb8;
	[tilespmem:$0x10200] =	vst v63  }
0x29: {  	s21 =	simm.s32 $0x2A00  }
0x2a: {  	[tilespmem:s21], [sflag:$0x1] =	stream.indirect_vreg.gather [hbm4b:s4+s2], $0x80, v4, vm0, $0xb8;
	[tilespmem:$0x10200] =	vst v63  }
0x2b: {  	s22 =	simm.s32 $0x3200  }
0x2c: {  	[tilespmem:s22], [sflag:$0x1] =	stream.indirect_vreg.gather [hbm4b:s3+s2], $0x80, v3, vm0, $0xb8;
	[tilespmem:$0x10200] =	vst v63  }
0x2d: {  	s24 =	simm.s32 $0x3A00  }
0x2e: {  	[tilespmem:s24], [sflag:$0x1] =	stream.indirect_vreg.gather [hbm4b:s4+s2], $0x80, v3, vm0, $0xb8;
	[tilespmem:$0x10200] =	vst v63  }
0x2f: {  	v3 =	vld [tilespmem:$0x20];
	_ =	sdelay $0x4  }
0x30: {  	v34 =	vshll.u32 v3, $0x2  }
0x31: {  	v3 =	vand.u32 $0x7, v3;
	v4 =	vand.u32 $0xFFFFFFE0, v34  }
0x32: {  	v3 =	vor.u32 v3, v4  }
0x33: {  	v4 =	vperm.xlane v3, v0;
	_ =	sdelay $0x1  }
0x34: {  	v4 =	vadd.s32 v1, v4;
	_ =	sdelay $0x1  }
0x35: {  	v3 =	vperm.xlane v3, v2;
	_ =	sdelay $0x1  }
0x36: {  	s25 =	simm.s32 $0x4200;
	v3 =	vadd.s32 v1, v3  }
0x37: {  	[tilespmem:s25], [sflag:$0x1] =	stream.indirect_vreg.gather [hbm4b:s3+s2], $0x80, v4, vm0, $0xb8;
	[tilespmem:$0x10200] =	vst v63  }
0x38: {  	s26 =	simm.s32 $0x4A00  }
0x39: {  	[tilespmem:s26], [sflag:$0x1] =	stream.indirect_vreg.gather [hbm4b:s4+s2], $0x80, v4, vm0, $0xb8;
	[tilespmem:$0x10200] =	vst v63  }
0x3a: {  	s28 =	simm.s32 $0x5200  }
0x3b: {  	[tilespmem:s28], [sflag:$0x1] =	stream.indirect_vreg.gather [hbm4b:s3+s2], $0x80, v3, vm0, $0xb8;
	[tilespmem:$0x10200] =	vst v63  }
0x3c: {  	s29 =	simm.s32 $0x5A00  }
0x3d: {  	[tilespmem:s29], [sflag:$0x1] =	stream.indirect_vreg.gather [hbm4b:s4+s2], $0x80, v3, vm0, $0xb8;
	[tilespmem:$0x10200] =	vst v63  }
0x3e: {  	v3 =	vld [tilespmem:$0x30];
	_ =	sdelay $0x4  }
0x3f: {  	v35 =	vshll.u32 v3, $0x2  }
0x40: {  	v3 =	vand.u32 $0x7, v3;
	v4 =	vand.u32 $0xFFFFFFE0, v35  }
0x41: {  	v3 =	vor.u32 v3, v4  }
0x42: {  	v4 =	vperm.xlane v3, v0;
	_ =	sdelay $0x1  }
0x43: {  	v4 =	vadd.s32 v1, v4;
	_ =	sdelay $0x1  }
0x44: {  	v3 =	vperm.xlane v3, v2;
	_ =	sdelay $0x1  }
0x45: {  	s30 =	simm.s32 $0x6200;
	v3 =	vadd.s32 v1, v3  }
0x46: {  	[tilespmem:s30], [sflag:$0x1] =	stream.indirect_vreg.gather [hbm4b:s3+s2], $0x80, v4, vm0, $0xb8;
	[tilespmem:$0x10200] =	vst v63  }
0x47: {  	s31 =	simm.s32 $0x6A00  }
0x48: {  	[tilespmem:s31], [sflag:$0x1] =	stream.indirect_vreg.gather [hbm4b:s4+s2], $0x80, v4, vm0, $0xb8;
	[tilespmem:$0x10200] =	vst v63  }
0x49: {  	s6 =	simm.s32 $0x7200  }
0x4a: {  	[tilespmem:s6], [sflag:$0x1] =	stream.indirect_vreg.gather [hbm4b:s3+s2], $0x80, v3, vm0, $0xb8;
	[tilespmem:$0x10200] =	vst v63  }
0x4b: {  	s7 =	simm.s32 $0x7A00  }
0x4c: {  	[tilespmem:s7], [sflag:$0x1] =	stream.indirect_vreg.gather [hbm4b:s4+s2], $0x80, v3, vm0, $0xb8;
	[tilespmem:$0x10200] =	vst v63  }
0x4d: {  	v3 =	vld [tilespmem:$0x40];
	_ =	sdelay $0x4  }
0x4e: {  	v36 =	vshll.u32 v3, $0x2  }
0x4f: {  	v3 =	vand.u32 $0x7, v3;
	v4 =	vand.u32 $0xFFFFFFE0, v36  }
0x50: {  	v3 =	vor.u32 v3, v4  }
0x51: {  	v4 =	vperm.xlane v3, v0;
	_ =	sdelay $0x1  }
0x52: {  	v4 =	vadd.s32 v1, v4;
	_ =	sdelay $0x1  }
0x53: {  	v3 =	vperm.xlane v3, v2;
	_ =	sdelay $0x1  }
0x54: {  	s8 =	simm.s32 $0x8200;
	v3 =	vadd.s32 v1, v3  }
0x55: {  	[tilespmem:s8], [sflag:$0x2] =	stream.indirect_vreg.gather [hbm4b:s3+s2], $0x80, v4, vm0, $0xb8;
	[tilespmem:$0x10200] =	vst v63  }
0x56: {  	s9 =	simm.s32 $0x8A00  }
0x57: {  	[tilespmem:s9], [sflag:$0x2] =	stream.indirect_vreg.gather [hbm4b:s4+s2], $0x80, v4, vm0, $0xb8;
	[tilespmem:$0x10200] =	vst v63  }
0x58: {  	s12 =	simm.s32 $0x9200  }
0x59: {  	[tilespmem:s12], [sflag:$0x2] =	stream.indirect_vreg.gather [hbm4b:s3+s2], $0x80, v3, vm0, $0xb8;
	[tilespmem:$0x10200] =	vst v63  }
0x5a: {  	s16 =	simm.s32 $0x9A00  }
0x5b: {  	[tilespmem:s16], [sflag:$0x2] =	stream.indirect_vreg.gather [hbm4b:s4+s2], $0x80, v3, vm0, $0xb8;
	[tilespmem:$0x10200] =	vst v63  }
0x5c: {  	v3 =	vld [tilespmem:$0x50];
	_ =	sdelay $0x4  }
0x5d: {  	v37 =	vshll.u32 v3, $0x2  }
0x5e: {  	v3 =	vand.u32 $0x7, v3;
	v4 =	vand.u32 $0xFFFFFFE0, v37  }
0x5f: {  	v3 =	vor.u32 v3, v4  }
0x60: {  	v4 =	vperm.xlane v3, v0;
	_ =	sdelay $0x1  }
0x61: {  	v4 =	vadd.s32 v1, v4;
	_ =	sdelay $0x1  }
0x62: {  	v3 =	vperm.xlane v3, v2;
	_ =	sdelay $0x1  }
0x63: {  	s17 =	simm.s32 $0xA200;
	v3 =	vadd.s32 v1, v3  }
0x64: {  	[tilespmem:s17], [sflag:$0x2] =	stream.indirect_vreg.gather [hbm4b:s3+s2], $0x80, v4, vm0, $0xb8;
	[tilespmem:$0x10200] =	vst v63  }
0x65: {  	s25 =	simm.s32 $0xAA00  }
0x66: {  	[tilespmem:s25], [sflag:$0x2] =	stream.indirect_vreg.gather [hbm4b:s4+s2], $0x80, v4, vm0, $0xb8;
	[tilespmem:$0x10200] =	vst v63  }
0x67: {  	s28 =	simm.s32 $0xB200  }
0x68: {  	[tilespmem:s28], [sflag:$0x2] =	stream.indirect_vreg.gather [hbm4b:s3+s2], $0x80, v3, vm0, $0xb8;
	[tilespmem:$0x10200] =	vst v63  }
0x69: {  	s30 =	simm.s32 $0xBA00  }
0x6a: {  	[tilespmem:s30], [sflag:$0x2] =	stream.indirect_vreg.gather [hbm4b:s4+s2], $0x80, v3, vm0, $0xb8;
	[tilespmem:$0x10200] =	vst v63  }
0x6b: {  	v3 =	vld [tilespmem:$0x60];
	_ =	sdelay $0x4  }
0x6c: {  	v38 =	vshll.u32 v3, $0x2  }
0x6d: {  	v3 =	vand.u32 $0x7, v3;
	v4 =	vand.u32 $0xFFFFFFE0, v38  }
0x6e: {  	v3 =	vor.u32 v3, v4  }
0x6f: {  	v4 =	vperm.xlane v3, v0;
	_ =	sdelay $0x1  }
0x70: {  	v4 =	vadd.s32 v1, v4;
	_ =	sdelay $0x1  }
0x71: {  	v3 =	vperm.xlane v3, v2;
	_ =	sdelay $0x1  }
0x72: {  	s7 =	simm.s32 $0xC200;
	v3 =	vadd.s32 v1, v3  }
0x73: {  	[tilespmem:s7], [sflag:$0x2] =	stream.indirect_vreg.gather [hbm4b:s3+s2], $0x80, v4, vm0, $0xb8;
	[tilespmem:$0x10200] =	vst v63  }
0x74: {  	s8 =	simm.s32 $0xCA00  }
0x75: {  	[tilespmem:s8], [sflag:$0x2] =	stream.indirect_vreg.gather [hbm4b:s4+s2], $0x80, v4, vm0, $0xb8;
	[tilespmem:$0x10200] =	vst v63  }
0x76: {  	s16 =	simm.s32 $0xD200  }
0x77: {  	[tilespmem:s16], [sflag:$0x2] =	stream.indirect_vreg.gather [hbm4b:s3+s2], $0x80, v3, vm0, $0xb8;
	[tilespmem:$0x10200] =	vst v63  }
0x78: {  	s17 =	simm.s32 $0xDA00  }
0x79: {  	[tilespmem:s17], [sflag:$0x2] =	stream.indirect_vreg.gather [hbm4b:s4+s2], $0x80, v3, vm0, $0xb8;
	[tilespmem:$0x10200] =	vst v63  }
0x7a: {  	v3 =	vld [tilespmem:$0x70];
	_ =	sdelay $0x4  }
0x7b: {  	v39 =	vshll.u32 v3, $0x2  }
0x7c: {  	v3 =	vand.u32 $0x7, v3;
	v4 =	vand.u32 $0xFFFFFFE0, v39  }
0x7d: {  	v3 =	vor.u32 v3, v4  }
0x7e: {  	v4 =	vperm.xlane v3, v0;
	_ =	sdelay $0x1  }
0x7f: {  	v4 =	vadd.s32 v1, v4;
	_ =	sdelay $0x1  }
0x80: {  	v3 =	vperm.xlane v3, v2;
	_ =	sdelay $0x1  }
0x81: {  	s25 =	simm.s32 $0xE200;
	v3 =	vadd.s32 v1, v3  }
0x82: {  	[tilespmem:s25], [sflag:$0x2] =	stream.indirect_vreg.gather [hbm4b:s3+s2], $0x80, v4, vm0, $0xb8;
	[tilespmem:$0x10200] =	vst v63  }
0x83: {  	s28 =	simm.s32 $0xEA00  }
0x84: {  	[tilespmem:s28], [sflag:$0x2] =	stream.indirect_vreg.gather [hbm4b:s4+s2], $0x80, v4, vm0, $0xb8;
	[tilespmem:$0x10200] =	vst v63  }
0x85: {  	s30 =	simm.s32 $0xF200  }
0x86: {  	[tilespmem:s30], [sflag:$0x2] =	stream.indirect_vreg.gather [hbm4b:s3+s2], $0x80, v3, vm0, $0xb8;
	[tilespmem:$0x10200] =	vst v63  }
0x87: {  	s16 =	simm.s32 $0xFA00  }
0x88: {  	[tilespmem:s16], [sflag:$0x2] =	stream.indirect_vreg.gather [hbm4b:s4+s2], $0x80, v3, vm0, $0xb8;
	[tilespmem:$0x10200] =	vst v63  }
0x89: {  	_ =	swait.ge [sflag:s13], $0x8000  }
0x8a: {  	[sflag:s13] =	ssyncset.done $0x0  }
0x8b: {  	[sflag:s13] =	ssyncadd.s32 $0xFFFF8000  }
0x8c: {  	v3 =	vld [tilespmem:$0x80];
	_ =	sdelay $0x4  }
0x8d: {  	v40 =	vshll.u32 v3, $0x2  }
0x8e: {  	v3 =	vand.u32 $0x7, v3;
	v4 =	vand.u32 $0xFFFFFFE0, v40  }
0x8f: {  	v3 =	vor.u32 v3, v4  }
0x90: {  	v4 =	vperm.xlane v3, v0;
	_ =	sdelay $0x1  }
0x91: {  	v4 =	vadd.s32 v1, v4;
	_ =	sdelay $0x1  }
0x92: {  	v3 =	vperm.xlane v3, v2;
	_ =	sdelay $0x1  }
0x93: {  	s0 =	simm.s32 $0x200;
	v3 =	vadd.s32 v1, v3  }
0x94: {  	[tilespmem:s0], [sflag:$0x1] =	stream.indirect_vreg.gather [hbm4b:s3+s2], $0x80, v4, vm0, $0xb8;
	[tilespmem:$0x10200] =	vst v63  }
0x95: {  	s23 =	simm.s32 $0xA00  }
0x96: {  	[tilespmem:s23], [sflag:$0x1] =	stream.indirect_vreg.gather [hbm4b:s4+s2], $0x80, v4, vm0, $0xb8;
	[tilespmem:$0x10200] =	vst v63  }
0x97: {  	s10 =	simm.s32 $0x1200  }
0x98: {  	[tilespmem:s10], [sflag:$0x1] =	stream.indirect_vreg.gather [hbm4b:s3+s2], $0x80, v3, vm0, $0xb8;
	[tilespmem:$0x10200] =	vst v63  }
0x99: {  	s11 =	simm.s32 $0x1A00  }
0x9a: {  	[tilespmem:s11], [sflag:$0x1] =	stream.indirect_vreg.gather [hbm4b:s4+s2], $0x80, v3, vm0, $0xb8;
	[tilespmem:$0x10200] =	vst v63  }
0x9b: {  	v3 =	vld [tilespmem:$0x90];
	_ =	sdelay $0x4  }
0x9c: {  	v41 =	vshll.u32 v3, $0x2  }
0x9d: {  	v3 =	vand.u32 $0x7, v3;
	v4 =	vand.u32 $0xFFFFFFE0, v41  }
0x9e: {  	v3 =	vor.u32 v3, v4  }
0x9f: {  	v4 =	vperm.xlane v3, v0;
	_ =	sdelay $0x1  }
0xa0: {  	v4 =	vadd.s32 v1, v4;
	_ =	sdelay $0x1  }
0xa1: {  	v3 =	vperm.xlane v3, v2;
	_ =	sdelay $0x1  }
0xa2: {  	s15 =	simm.s32 $0x2200;
	v3 =	vadd.s32 v1, v3  }
0xa3: {  	[tilespmem:s15], [sflag:$0x1] =	stream.indirect_vreg.gather [hbm4b:s3+s2], $0x80, v4, vm0, $0xb8;
	[tilespmem:$0x10200] =	vst v63  }
0xa4: {  	s18 =	simm.s32 $0x2A00  }
0xa5: {  	[tilespmem:s18], [sflag:$0x1] =	stream.indirect_vreg.gather [hbm4b:s4+s2], $0x80, v4, vm0, $0xb8;
	[tilespmem:$0x10200] =	vst v63  }
0xa6: {  	s19 =	simm.s32 $0x3200  }
0xa7: {  	[tilespmem:s19], [sflag:$0x1] =	stream.indirect_vreg.gather [hbm4b:s3+s2], $0x80, v3, vm0, $0xb8;
	[tilespmem:$0x10200] =	vst v63  }
0xa8: {  	s20 =	simm.s32 $0x3A00  }
0xa9: {  	[tilespmem:s20], [sflag:$0x1] =	stream.indirect_vreg.gather [hbm4b:s4+s2], $0x80, v3, vm0, $0xb8;
	[tilespmem:$0x10200] =	vst v63  }
0xaa: {  	v3 =	vld [tilespmem:$0xA0];
	_ =	sdelay $0x4  }
0xab: {  	v42 =	vshll.u32 v3, $0x2  }
0xac: {  	v3 =	vand.u32 $0x7, v3;
	v4 =	vand.u32 $0xFFFFFFE0, v42  }
0xad: {  	v3 =	vor.u32 v3, v4  }
0xae: {  	v4 =	vperm.xlane v3, v0;
	_ =	sdelay $0x1  }
0xaf: {  	v4 =	vadd.s32 v1, v4;
	_ =	sdelay $0x1  }
0xb0: {  	v3 =	vperm.xlane v3, v2;
	_ =	sdelay $0x1  }
0xb1: {  	s21 =	simm.s32 $0x4200;
	v3 =	vadd.s32 v1, v3  }
0xb2: {  	[tilespmem:s21], [sflag:$0x1] =	stream.indirect_vreg.gather [hbm4b:s3+s2], $0x80, v4, vm0, $0xb8;
	[tilespmem:$0x10200] =	vst v63  }
0xb3: {  	s22 =	simm.s32 $0x4A00  }
0xb4: {  	[tilespmem:s22], [sflag:$0x1] =	stream.indirect_vreg.gather [hbm4b:s4+s2], $0x80, v4, vm0, $0xb8;
	[tilespmem:$0x10200] =	vst v63  }
0xb5: {  	s24 =	simm.s32 $0x5200  }
0xb6: {  	[tilespmem:s24], [sflag:$0x1] =	stream.indirect_vreg.gather [hbm4b:s3+s2], $0x80, v3, vm0, $0xb8;
	[tilespmem:$0x10200] =	vst v63  }
0xb7: {  	s24 =	simm.s32 $0x5A00  }
0xb8: {  	[tilespmem:s24], [sflag:$0x1] =	stream.indirect_vreg.gather [hbm4b:s4+s2], $0x80, v3, vm0, $0xb8;
	[tilespmem:$0x10200] =	vst v63  }
0xb9: {  	v3 =	vld [tilespmem:$0xB0];
	_ =	sdelay $0x4  }
0xba: {  	v43 =	vshll.u32 v3, $0x2  }
0xbb: {  	v3 =	vand.u32 $0x7, v3;
	v4 =	vand.u32 $0xFFFFFFE0, v43  }
0xbc: {  	v3 =	vor.u32 v3, v4  }
0xbd: {  	v4 =	vperm.xlane v3, v0;
	_ =	sdelay $0x1  }
0xbe: {  	v4 =	vadd.s32 v1, v4;
	_ =	sdelay $0x1  }
0xbf: {  	v3 =	vperm.xlane v3, v2;
	_ =	sdelay $0x1  }
0xc0: {  	s26 =	simm.s32 $0x6200;
	v3 =	vadd.s32 v1, v3  }
0xc1: {  	[tilespmem:s26], [sflag:$0x1] =	stream.indirect_vreg.gather [hbm4b:s3+s2], $0x80, v4, vm0, $0xb8;
	[tilespmem:$0x10200] =	vst v63  }
0xc2: {  	s29 =	simm.s32 $0x6A00  }
0xc3: {  	[tilespmem:s29], [sflag:$0x1] =	stream.indirect_vreg.gather [hbm4b:s4+s2], $0x80, v4, vm0, $0xb8;
	[tilespmem:$0x10200] =	vst v63  }
0xc4: {  	s26 =	simm.s32 $0x7200  }
0xc5: {  	[tilespmem:s26], [sflag:$0x1] =	stream.indirect_vreg.gather [hbm4b:s3+s2], $0x80, v3, vm0, $0xb8;
	[tilespmem:$0x10200] =	vst v63  }
0xc6: {  	s31 =	simm.s32 $0x7A00  }
0xc7: {  	[tilespmem:s31], [sflag:$0x1] =	stream.indirect_vreg.gather [hbm4b:s4+s2], $0x80, v3, vm0, $0xb8;
	[tilespmem:$0x10200] =	vst v63  }
0xc8: {  	_ =	swait.ge [sflag:s14], $0x8000  }
0xc9: {  	[sflag:s14] =	ssyncset.done $0x0  }
0xca: {  	[sflag:s14] =	ssyncadd.s32 $0xFFFF8000  }
0xcb: {  	v3 =	vld [tilespmem:$0xC0];
	_ =	sdelay $0x4  }
0xcc: {  	v44 =	vshll.u32 v3, $0x2  }
0xcd: {  	v3 =	vand.u32 $0x7, v3;
	v4 =	vand.u32 $0xFFFFFFE0, v44  }
0xce: {  	v3 =	vor.u32 v3, v4  }
0xcf: {  	v4 =	vperm.xlane v3, v0;
	_ =	sdelay $0x1  }
0xd0: {  	v4 =	vadd.s32 v1, v4;
	_ =	sdelay $0x1  }
0xd1: {  	v3 =	vperm.xlane v3, v2;
	_ =	sdelay $0x1  }
0xd2: {  	s6 =	simm.s32 $0x8200;
	v3 =	vadd.s32 v1, v3  }
0xd3: {  	[tilespmem:s6], [sflag:$0x2] =	stream.indirect_vreg.gather [hbm4b:s3+s2], $0x80, v4, vm0, $0xb8;
	[tilespmem:$0x10200] =	vst v63  }
0xd4: {  	s0 =	simm.s32 $0x8A00  }
0xd5: {  	[tilespmem:s0], [sflag:$0x2] =	stream.indirect_vreg.gather [hbm4b:s4+s2], $0x80, v4, vm0, $0xb8;
	[tilespmem:$0x10200] =	vst v63  }
0xd6: {  	s6 =	simm.s32 $0x9200  }
0xd7: {  	[tilespmem:s6], [sflag:$0x2] =	stream.indirect_vreg.gather [hbm4b:s3+s2], $0x80, v3, vm0, $0xb8;
	[tilespmem:$0x10200] =	vst v63  }
0xd8: {  	s9 =	simm.s32 $0x9A00  }
0xd9: {  	[tilespmem:s9], [sflag:$0x2] =	stream.indirect_vreg.gather [hbm4b:s4+s2], $0x80, v3, vm0, $0xb8;
	[tilespmem:$0x10200] =	vst v63  }
0xda: {  	v3 =	vld [tilespmem:$0xD0];
	_ =	sdelay $0x4  }
0xdb: {  	v45 =	vshll.u32 v3, $0x2  }
0xdc: {  	v3 =	vand.u32 $0x7, v3;
	v4 =	vand.u32 $0xFFFFFFE0, v45  }
0xdd: {  	v3 =	vor.u32 v3, v4  }
0xde: {  	v4 =	vperm.xlane v3, v0;
	_ =	sdelay $0x1  }
0xdf: {  	v4 =	vadd.s32 v1, v4;
	_ =	sdelay $0x1  }
0xe0: {  	v3 =	vperm.xlane v3, v2;
	_ =	sdelay $0x1  }
0xe1: {  	s9 =	simm.s32 $0xA200;
	v3 =	vadd.s32 v1, v3  }
0xe2: {  	[tilespmem:s9], [sflag:$0x2] =	stream.indirect_vreg.gather [hbm4b:s3+s2], $0x80, v4, vm0, $0xb8;
	[tilespmem:$0x10200] =	vst v63  }
0xe3: {  	s10 =	simm.s32 $0xAA00  }
0xe4: {  	[tilespmem:s10], [sflag:$0x2] =	stream.indirect_vreg.gather [hbm4b:s4+s2], $0x80, v4, vm0, $0xb8;
	[tilespmem:$0x10200] =	vst v63  }
0xe5: {  	s11 =	simm.s32 $0xB200  }
0xe6: {  	[tilespmem:s11], [sflag:$0x2] =	stream.indirect_vreg.gather [hbm4b:s3+s2], $0x80, v3, vm0, $0xb8;
	[tilespmem:$0x10200] =	vst v63  }
0xe7: {  	s15 =	simm.s32 $0xBA00  }
0xe8: {  	[tilespmem:s15], [sflag:$0x2] =	stream.indirect_vreg.gather [hbm4b:s4+s2], $0x80, v3, vm0, $0xb8;
	[tilespmem:$0x10200] =	vst v63  }
0xe9: {  	v3 =	vld [tilespmem:$0xE0];
	_ =	sdelay $0x4  }
0xea: {  	v46 =	vshll.u32 v3, $0x2  }
0xeb: {  	v3 =	vand.u32 $0x7, v3;
	v4 =	vand.u32 $0xFFFFFFE0, v46  }
0xec: {  	v3 =	vor.u32 v3, v4  }
0xed: {  	v4 =	vperm.xlane v3, v0;
	_ =	sdelay $0x1  }
0xee: {  	v4 =	vadd.s32 v1, v4;
	_ =	sdelay $0x1  }
0xef: {  	v3 =	vperm.xlane v3, v2;
	_ =	sdelay $0x1  }
0xf0: {  	s12 =	simm.s32 $0xC200;
	v3 =	vadd.s32 v1, v3  }
0xf1: {  	[tilespmem:s12], [sflag:$0x2] =	stream.indirect_vreg.gather [hbm4b:s3+s2], $0x80, v4, vm0, $0xb8;
	[tilespmem:$0x10200] =	vst v63  }
0xf2: {  	s7 =	simm.s32 $0xCA00  }
0xf3: {  	[tilespmem:s7], [sflag:$0x2] =	stream.indirect_vreg.gather [hbm4b:s4+s2], $0x80, v4, vm0, $0xb8;
	[tilespmem:$0x10200] =	vst v63  }
0xf4: {  	s1 =	simm.s32 $0xD200  }
0xf5: {  	[tilespmem:s1], [sflag:$0x2] =	stream.indirect_vreg.gather [hbm4b:s3+s2], $0x80, v3, vm0, $0xb8;
	[tilespmem:$0x10200] =	vst v63  }
0xf6: {  	s12 =	simm.s32 $0xDA00  }
0xf7: {  	[tilespmem:s12], [sflag:$0x2] =	stream.indirect_vreg.gather [hbm4b:s4+s2], $0x80, v3, vm0, $0xb8;
	[tilespmem:$0x10200] =	vst v63  }
0xf8: {  	v3 =	vld [tilespmem:$0xF0];
	_ =	sdelay $0x4  }
0xf9: {  	v47 =	vshll.u32 v3, $0x2  }
0xfa: {  	v3 =	vand.u32 $0x7, v3;
	v4 =	vand.u32 $0xFFFFFFE0, v47  }
0xfb: {  	v3 =	vor.u32 v3, v4  }
0xfc: {  	v4 =	vperm.xlane v3, v0;
	_ =	sdelay $0x1  }
0xfd: {  	v4 =	vadd.s32 v1, v4;
	_ =	sdelay $0x1  }
0xfe: {  	v3 =	vperm.xlane v3, v2;
	_ =	sdelay $0x1  }
0xff: {  	s7 =	simm.s32 $0xE200;
	v3 =	vadd.s32 v1, v3  }
0x100: {  	[tilespmem:s7], [sflag:$0x2] =	stream.indirect_vreg.gather [hbm4b:s3+s2], $0x80, v4, vm0, $0xb8;
	[tilespmem:$0x10200] =	vst v63  }
0x101: {  	s8 =	simm.s32 $0xEA00  }
0x102: {  	[tilespmem:s8], [sflag:$0x2] =	stream.indirect_vreg.gather [hbm4b:s4+s2], $0x80, v4, vm0, $0xb8;
	[tilespmem:$0x10200] =	vst v63  }
0x103: {  	s8 =	simm.s32 $0xF200  }
0x104: {  	[tilespmem:s8], [sflag:$0x2] =	stream.indirect_vreg.gather [hbm4b:s3+s2], $0x80, v3, vm0, $0xb8;
	[tilespmem:$0x10200] =	vst v63  }
0x105: {  	s16 =	simm.s32 $0xFA00  }
0x106: {  	[tilespmem:s16], [sflag:$0x2] =	stream.indirect_vreg.gather [hbm4b:s4+s2], $0x80, v3, vm0, $0xb8;
	[tilespmem:$0x10200] =	vst v63  }
0x107: {  	_ =	swait.ge [sflag:s13], $0x8000  }
0x108: {  	[sflag:s13] =	ssyncset.done $0x0  }
0x109: {  	[sflag:s13] =	ssyncadd.s32 $0xFFFF8000  }
0x10a: {  	v3 =	vld [tilespmem:$0x100];
	_ =	sdelay $0x4  }
0x10b: {  	v48 =	vshll.u32 v3, $0x2  }
0x10c: {  	v3 =	vand.u32 $0x7, v3;
	v4 =	vand.u32 $0xFFFFFFE0, v48  }
0x10d: {  	v3 =	vor.u32 v3, v4  }
0x10e: {  	v4 =	vperm.xlane v3, v0;
	_ =	sdelay $0x1  }
0x10f: {  	v4 =	vadd.s32 v1, v4;
	_ =	sdelay $0x1  }
0x110: {  	v3 =	vperm.xlane v3, v2;
	_ =	sdelay $0x1  }
0x111: {  	s17 =	simm.s32 $0x200;
	v3 =	vadd.s32 v1, v3  }
0x112: {  	[tilespmem:s17], [sflag:$0x1] =	stream.indirect_vreg.gather [hbm4b:s3+s2], $0x80, v4, vm0, $0xb8;
	[tilespmem:$0x10200] =	vst v63  }
0x113: {  	s17 =	simm.s32 $0xA00  }
0x114: {  	[tilespmem:s17], [sflag:$0x1] =	stream.indirect_vreg.gather [hbm4b:s4+s2], $0x80, v4, vm0, $0xb8;
	[tilespmem:$0x10200] =	vst v63  }
0x115: {  	s23 =	simm.s32 $0x1200  }
0x116: {  	[tilespmem:s23], [sflag:$0x1] =	stream.indirect_vreg.gather [hbm4b:s3+s2], $0x80, v3, vm0, $0xb8;
	[tilespmem:$0x10200] =	vst v63  }
0x117: {  	s25 =	simm.s32 $0x1A00  }
0x118: {  	[tilespmem:s25], [sflag:$0x1] =	stream.indirect_vreg.gather [hbm4b:s4+s2], $0x80, v3, vm0, $0xb8;
	[tilespmem:$0x10200] =	vst v63  }
0x119: {  	v3 =	vld [tilespmem:$0x110];
	_ =	sdelay $0x4  }
0x11a: {  	v49 =	vshll.u32 v3, $0x2  }
0x11b: {  	v3 =	vand.u32 $0x7, v3;
	v4 =	vand.u32 $0xFFFFFFE0, v49  }
0x11c: {  	v3 =	vor.u32 v3, v4  }
0x11d: {  	v4 =	vperm.xlane v3, v0;
	_ =	sdelay $0x1  }
0x11e: {  	v4 =	vadd.s32 v1, v4;
	_ =	sdelay $0x1  }
0x11f: {  	v3 =	vperm.xlane v3, v2;
	_ =	sdelay $0x1  }
0x120: {  	s28 =	simm.s32 $0x2200;
	v3 =	vadd.s32 v1, v3  }
0x121: {  	[tilespmem:s28], [sflag:$0x1] =	stream.indirect_vreg.gather [hbm4b:s3+s2], $0x80, v4, vm0, $0xb8;
	[tilespmem:$0x10200] =	vst v63  }
0x122: {  	s30 =	simm.s32 $0x2A00  }
0x123: {  	[tilespmem:s30], [sflag:$0x1] =	stream.indirect_vreg.gather [hbm4b:s4+s2], $0x80, v4, vm0, $0xb8;
	[tilespmem:$0x10200] =	vst v63  }
0x124: {  	s19 =	simm.s32 $0x3200  }
0x125: {  	[tilespmem:s19], [sflag:$0x1] =	stream.indirect_vreg.gather [hbm4b:s3+s2], $0x80, v3, vm0, $0xb8;
	[tilespmem:$0x10200] =	vst v63  }
0x126: {  	s20 =	simm.s32 $0x3A00  }
0x127: {  	[tilespmem:s20], [sflag:$0x1] =	stream.indirect_vreg.gather [hbm4b:s4+s2], $0x80, v3, vm0, $0xb8;
	[tilespmem:$0x10200] =	vst v63  }
0x128: {  	v3 =	vld [tilespmem:$0x120];
	_ =	sdelay $0x4  }
0x129: {  	v50 =	vshll.u32 v3, $0x2  }
0x12a: {  	v3 =	vand.u32 $0x7, v3;
	v4 =	vand.u32 $0xFFFFFFE0, v50  }
0x12b: {  	v3 =	vor.u32 v3, v4  }
0x12c: {  	v4 =	vperm.xlane v3, v0;
	_ =	sdelay $0x1  }
0x12d: {  	v4 =	vadd.s32 v1, v4;
	_ =	sdelay $0x1  }
0x12e: {  	v3 =	vperm.xlane v3, v2;
	_ =	sdelay $0x1  }
0x12f: {  	s20 =	simm.s32 $0x4200;
	v3 =	vadd.s32 v1, v3  }
0x130: {  	[tilespmem:s20], [sflag:$0x1] =	stream.indirect_vreg.gather [hbm4b:s3+s2], $0x80, v4, vm0, $0xb8;
	[tilespmem:$0x10200] =	vst v63  }
0x131: {  	s17 =	simm.s32 $0x4A00  }
0x132: {  	[tilespmem:s17], [sflag:$0x1] =	stream.indirect_vreg.gather [hbm4b:s4+s2], $0x80, v4, vm0, $0xb8;
	[tilespmem:$0x10200] =	vst v63  }
0x133: {  	s19 =	simm.s32 $0x5200  }
0x134: {  	[tilespmem:s19], [sflag:$0x1] =	stream.indirect_vreg.gather [hbm4b:s3+s2], $0x80, v3, vm0, $0xb8;
	[tilespmem:$0x10200] =	vst v63  }
0x135: {  	_ = 	snop  }
0x136: {  	[tilespmem:s24], [sflag:$0x1] =	stream.indirect_vreg.gather [hbm4b:s4+s2], $0x80, v3, vm0, $0xb8;
	[tilespmem:$0x10200] =	vst v63  }
0x137: {  	v3 =	vld [tilespmem:$0x130];
	_ =	sdelay $0x4  }
0x138: {  	v51 =	vshll.u32 v3, $0x2  }
0x139: {  	v3 =	vand.u32 $0x7, v3;
	v4 =	vand.u32 $0xFFFFFFE0, v51  }
0x13a: {  	v3 =	vor.u32 v3, v4  }
0x13b: {  	v4 =	vperm.xlane v3, v0;
	_ =	sdelay $0x1  }
0x13c: {  	v4 =	vadd.s32 v1, v4;
	_ =	sdelay $0x1  }
0x13d: {  	v3 =	vperm.xlane v3, v2;
	_ =	sdelay $0x1  }
0x13e: {  	s20 =	simm.s32 $0x6200;
	v3 =	vadd.s32 v1, v3  }
0x13f: {  	[tilespmem:s20], [sflag:$0x1] =	stream.indirect_vreg.gather [hbm4b:s3+s2], $0x80, v4, vm0, $0xb8;
	[tilespmem:$0x10200] =	vst v63  }
0x140: {  	s17 =	simm.s32 $0x6A00  }
0x141: {  	[tilespmem:s17], [sflag:$0x1] =	stream.indirect_vreg.gather [hbm4b:s4+s2], $0x80, v4, vm0, $0xb8;
	[tilespmem:$0x10200] =	vst v63  }
0x142: {  	_ = 	snop  }
0x143: {  	[tilespmem:s26], [sflag:$0x1] =	stream.indirect_vreg.gather [hbm4b:s3+s2], $0x80, v3, vm0, $0xb8;
	[tilespmem:$0x10200] =	vst v63  }
0x144: {  	s19 =	simm.s32 $0x7A00  }
0x145: {  	[tilespmem:s19], [sflag:$0x1] =	stream.indirect_vreg.gather [hbm4b:s4+s2], $0x80, v3, vm0, $0xb8;
	[tilespmem:$0x10200] =	vst v63  }
0x146: {  	_ =	swait.ge [sflag:s14], $0x8000  }
0x147: {  	[sflag:s14] =	ssyncset.done $0x0  }
0x148: {  	[sflag:s14] =	ssyncadd.s32 $0xFFFF8000  }
0x149: {  	v3 =	vld [tilespmem:$0x140];
	_ =	sdelay $0x4  }
0x14a: {  	v52 =	vshll.u32 v3, $0x2  }
0x14b: {  	v3 =	vand.u32 $0x7, v3;
	v4 =	vand.u32 $0xFFFFFFE0, v52  }
0x14c: {  	v3 =	vor.u32 v3, v4  }
0x14d: {  	v4 =	vperm.xlane v3, v0;
	_ =	sdelay $0x1  }
0x14e: {  	v4 =	vadd.s32 v1, v4;
	_ =	sdelay $0x1  }
0x14f: {  	v3 =	vperm.xlane v3, v2;
	_ =	sdelay $0x1  }
0x150: {  	s20 =	simm.s32 $0x8200;
	v3 =	vadd.s32 v1, v3  }
0x151: {  	[tilespmem:s20], [sflag:$0x2] =	stream.indirect_vreg.gather [hbm4b:s3+s2], $0x80, v4, vm0, $0xb8;
	[tilespmem:$0x10200] =	vst v63  }
0x152: {  	_ = 	snop  }
0x153: {  	[tilespmem:s0], [sflag:$0x2] =	stream.indirect_vreg.gather [hbm4b:s4+s2], $0x80, v4, vm0, $0xb8;
	[tilespmem:$0x10200] =	vst v63  }
0x154: {  	_ = 	snop  }
0x155: {  	[tilespmem:s6], [sflag:$0x2] =	stream.indirect_vreg.gather [hbm4b:s3+s2], $0x80, v3, vm0, $0xb8;
	[tilespmem:$0x10200] =	vst v63  }
0x156: {  	s22 =	simm.s32 $0x9A00  }
0x157: {  	[tilespmem:s22], [sflag:$0x2] =	stream.indirect_vreg.gather [hbm4b:s4+s2], $0x80, v3, vm0, $0xb8;
	[tilespmem:$0x10200] =	vst v63  }
0x158: {  	v3 =	vld [tilespmem:$0x150];
	_ =	sdelay $0x4  }
0x159: {  	v53 =	vshll.u32 v3, $0x2  }
0x15a: {  	v3 =	vand.u32 $0x7, v3;
	v4 =	vand.u32 $0xFFFFFFE0, v53  }
0x15b: {  	v3 =	vor.u32 v3, v4  }
0x15c: {  	v4 =	vperm.xlane v3, v0;
	_ =	sdelay $0x1  }
0x15d: {  	v4 =	vadd.s32 v1, v4;
	_ =	sdelay $0x1  }
0x15e: {  	v3 =	vperm.xlane v3, v2;
	_ =	sdelay $0x1  }
0x15f: {  	v3 =	vadd.s32 v1, v3  }
0x160: {  	[tilespmem:s9], [sflag:$0x2] =	stream.indirect_vreg.gather [hbm4b:s3+s2], $0x80, v4, vm0, $0xb8;
	[tilespmem:$0x10200] =	vst v63  }
0x161: {  	_ = 	snop  }
0x162: {  	[tilespmem:s10], [sflag:$0x2] =	stream.indirect_vreg.gather [hbm4b:s4+s2], $0x80, v4, vm0, $0xb8;
	[tilespmem:$0x10200] =	vst v63  }
0x163: {  	_ = 	snop  }
0x164: {  	[tilespmem:s11], [sflag:$0x2] =	stream.indirect_vreg.gather [hbm4b:s3+s2], $0x80, v3, vm0, $0xb8;
	[tilespmem:$0x10200] =	vst v63  }
0x165: {  	_ = 	snop  }
0x166: {  	[tilespmem:s15], [sflag:$0x2] =	stream.indirect_vreg.gather [hbm4b:s4+s2], $0x80, v3, vm0, $0xb8;
	[tilespmem:$0x10200] =	vst v63  }
0x167: {  	v3 =	vld [tilespmem:$0x160];
	_ =	sdelay $0x4  }
0x168: {  	v54 =	vshll.u32 v3, $0x2  }
0x169: {  	v3 =	vand.u32 $0x7, v3;
	v4 =	vand.u32 $0xFFFFFFE0, v54  }
0x16a: {  	v3 =	vor.u32 v3, v4  }
0x16b: {  	v4 =	vperm.xlane v3, v0;
	_ =	sdelay $0x1  }
0x16c: {  	v4 =	vadd.s32 v1, v4;
	_ =	sdelay $0x1  }
0x16d: {  	v3 =	vperm.xlane v3, v2;
	_ =	sdelay $0x1  }
0x16e: {  	s18 =	simm.s32 $0xC200;
	v3 =	vadd.s32 v1, v3  }
0x16f: {  	[tilespmem:s18], [sflag:$0x2] =	stream.indirect_vreg.gather [hbm4b:s3+s2], $0x80, v4, vm0, $0xb8;
	[tilespmem:$0x10200] =	vst v63  }
0x170: {  	s0 =	simm.s32 $0xCA00  }
0x171: {  	[tilespmem:s0], [sflag:$0x2] =	stream.indirect_vreg.gather [hbm4b:s4+s2], $0x80, v4, vm0, $0xb8;
	[tilespmem:$0x10200] =	vst v63  }
0x172: {  	_ = 	snop  }
0x173: {  	[tilespmem:s1], [sflag:$0x2] =	stream.indirect_vreg.gather [hbm4b:s3+s2], $0x80, v3, vm0, $0xb8;
	[tilespmem:$0x10200] =	vst v63  }
0x174: {  	_ = 	snop  }
0x175: {  	[tilespmem:s12], [sflag:$0x2] =	stream.indirect_vreg.gather [hbm4b:s4+s2], $0x80, v3, vm0, $0xb8;
	[tilespmem:$0x10200] =	vst v63  }
0x176: {  	v3 =	vld [tilespmem:$0x170];
	_ =	sdelay $0x4  }
0x177: {  	v55 =	vshll.u32 v3, $0x2  }
0x178: {  	v3 =	vand.u32 $0x7, v3;
	v4 =	vand.u32 $0xFFFFFFE0, v55  }
0x179: {  	v3 =	vor.u32 v3, v4  }
0x17a: {  	v4 =	vperm.xlane v3, v0;
	_ =	sdelay $0x1  }
0x17b: {  	v4 =	vadd.s32 v1, v4;
	_ =	sdelay $0x1  }
0x17c: {  	v3 =	vperm.xlane v3, v2;
	_ =	sdelay $0x1  }
0x17d: {  	v3 =	vadd.s32 v1, v3  }
0x17e: {  	[tilespmem:s7], [sflag:$0x2] =	stream.indirect_vreg.gather [hbm4b:s3+s2], $0x80, v4, vm0, $0xb8;
	[tilespmem:$0x10200] =	vst v63  }
0x17f: {  	s18 =	simm.s32 $0xEA00  }
0x180: {  	[tilespmem:s18], [sflag:$0x2] =	stream.indirect_vreg.gather [hbm4b:s4+s2], $0x80, v4, vm0, $0xb8;
	[tilespmem:$0x10200] =	vst v63  }
0x181: {  	_ = 	snop  }
0x182: {  	[tilespmem:s8], [sflag:$0x2] =	stream.indirect_vreg.gather [hbm4b:s3+s2], $0x80, v3, vm0, $0xb8;
	[tilespmem:$0x10200] =	vst v63  }
0x183: {  	s21 =	simm.s32 $0xFA00  }
0x184: {  	[tilespmem:s21], [sflag:$0x2] =	stream.indirect_vreg.gather [hbm4b:s4+s2], $0x80, v3, vm0, $0xb8;
	[tilespmem:$0x10200] =	vst v63  }
0x185: {  	_ =	swait.ge [sflag:s13], $0x8000  }
0x186: {  	[sflag:s13] =	ssyncset.done $0x0  }
0x187: {  	[sflag:s13] =	ssyncadd.s32 $0xFFFF8000  }
0x188: {  	v3 =	vld [tilespmem:$0x180];
	_ =	sdelay $0x4  }
0x189: {  	v56 =	vshll.u32 v3, $0x2  }
0x18a: {  	v3 =	vand.u32 $0x7, v3;
	v4 =	vand.u32 $0xFFFFFFE0, v56  }
0x18b: {  	v3 =	vor.u32 v3, v4  }
0x18c: {  	v4 =	vperm.xlane v3, v0;
	_ =	sdelay $0x1  }
0x18d: {  	v4 =	vadd.s32 v1, v4;
	_ =	sdelay $0x1  }
0x18e: {  	v3 =	vperm.xlane v3, v2;
	_ =	sdelay $0x1  }
0x18f: {  	s21 =	simm.s32 $0x200;
	v3 =	vadd.s32 v1, v3  }
0x190: {  	[tilespmem:s21], [sflag:$0x1] =	stream.indirect_vreg.gather [hbm4b:s3+s2], $0x80, v4, vm0, $0xb8;
	[tilespmem:$0x10200] =	vst v63  }
0x191: {  	s0 =	simm.s32 $0xA00  }
0x192: {  	[tilespmem:s0], [sflag:$0x1] =	stream.indirect_vreg.gather [hbm4b:s4+s2], $0x80, v4, vm0, $0xb8;
	[tilespmem:$0x10200] =	vst v63  }
0x193: {  	s23 =	simm.s32 $0x1200  }
0x194: {  	[tilespmem:s23], [sflag:$0x1] =	stream.indirect_vreg.gather [hbm4b:s3+s2], $0x80, v3, vm0, $0xb8;
	[tilespmem:$0x10200] =	vst v63  }
0x195: {  	s25 =	simm.s32 $0x1A00  }
0x196: {  	[tilespmem:s25], [sflag:$0x1] =	stream.indirect_vreg.gather [hbm4b:s4+s2], $0x80, v3, vm0, $0xb8;
	[tilespmem:$0x10200] =	vst v63  }
0x197: {  	v3 =	vld [tilespmem:$0x190];
	_ =	sdelay $0x4  }
0x198: {  	v57 =	vshll.u32 v3, $0x2  }
0x199: {  	v3 =	vand.u32 $0x7, v3;
	v4 =	vand.u32 $0xFFFFFFE0, v57  }
0x19a: {  	v3 =	vor.u32 v3, v4  }
0x19b: {  	v4 =	vperm.xlane v3, v0;
	_ =	sdelay $0x1  }
0x19c: {  	v4 =	vadd.s32 v1, v4;
	_ =	sdelay $0x1  }
0x19d: {  	v3 =	vperm.xlane v3, v2;
	_ =	sdelay $0x1  }
0x19e: {  	s28 =	simm.s32 $0x2200;
	v3 =	vadd.s32 v1, v3  }
0x19f: {  	[tilespmem:s28], [sflag:$0x1] =	stream.indirect_vreg.gather [hbm4b:s3+s2], $0x80, v4, vm0, $0xb8;
	[tilespmem:$0x10200] =	vst v63  }
0x1a0: {  	s29 =	simm.s32 $0x2A00  }
0x1a1: {  	[tilespmem:s29], [sflag:$0x1] =	stream.indirect_vreg.gather [hbm4b:s4+s2], $0x80, v4, vm0, $0xb8;
	[tilespmem:$0x10200] =	vst v63  }
0x1a2: {  	s30 =	simm.s32 $0x3200  }
0x1a3: {  	[tilespmem:s30], [sflag:$0x1] =	stream.indirect_vreg.gather [hbm4b:s3+s2], $0x80, v3, vm0, $0xb8;
	[tilespmem:$0x10200] =	vst v63  }
0x1a4: {  	s31 =	simm.s32 $0x3A00  }
0x1a5: {  	[tilespmem:s31], [sflag:$0x1] =	stream.indirect_vreg.gather [hbm4b:s4+s2], $0x80, v3, vm0, $0xb8;
	[tilespmem:$0x10200] =	vst v63  }
0x1a6: {  	v3 =	vld [tilespmem:$0x1A0];
	_ =	sdelay $0x4  }
0x1a7: {  	v58 =	vshll.u32 v3, $0x2  }
0x1a8: {  	v3 =	vand.u32 $0x7, v3;
	v4 =	vand.u32 $0xFFFFFFE0, v58  }
0x1a9: {  	v3 =	vor.u32 v3, v4  }
0x1aa: {  	v4 =	vperm.xlane v3, v0;
	_ =	sdelay $0x1  }
0x1ab: {  	v4 =	vadd.s32 v1, v4;
	_ =	sdelay $0x1  }
0x1ac: {  	v3 =	vperm.xlane v3, v2;
	_ =	sdelay $0x1  }
0x1ad: {  	s30 =	simm.s32 $0x4200;
	v3 =	vadd.s32 v1, v3  }
0x1ae: {  	[tilespmem:s30], [sflag:$0x1] =	stream.indirect_vreg.gather [hbm4b:s3+s2], $0x80, v4, vm0, $0xb8;
	[tilespmem:$0x10200] =	vst v63  }
0x1af: {  	s31 =	simm.s32 $0x4A00  }
0x1b0: {  	[tilespmem:s31], [sflag:$0x1] =	stream.indirect_vreg.gather [hbm4b:s4+s2], $0x80, v4, vm0, $0xb8;
	[tilespmem:$0x10200] =	vst v63  }
0x1b1: {  	s0 =	simm.s32 $0x5200  }
0x1b2: {  	[tilespmem:s0], [sflag:$0x1] =	stream.indirect_vreg.gather [hbm4b:s3+s2], $0x80, v3, vm0, $0xb8;
	[tilespmem:$0x10200] =	vst v63  }
0x1b3: {  	s24 =	simm.s32 $0x5A00  }
0x1b4: {  	[tilespmem:s24], [sflag:$0x1] =	stream.indirect_vreg.gather [hbm4b:s4+s2], $0x80, v3, vm0, $0xb8;
	[tilespmem:$0x10200] =	vst v63  }
0x1b5: {  	v3 =	vld [tilespmem:$0x1B0];
	_ =	sdelay $0x4  }
0x1b6: {  	v59 =	vshll.u32 v3, $0x2  }
0x1b7: {  	v3 =	vand.u32 $0x7, v3;
	v4 =	vand.u32 $0xFFFFFFE0, v59  }
0x1b8: {  	v3 =	vor.u32 v3, v4  }
0x1b9: {  	v4 =	vperm.xlane v3, v0;
	_ =	sdelay $0x1  }
0x1ba: {  	v4 =	vadd.s32 v1, v4;
	_ =	sdelay $0x1  }
0x1bb: {  	v3 =	vperm.xlane v3, v2;
	_ =	sdelay $0x1  }
0x1bc: {  	s24 =	simm.s32 $0x6200;
	v3 =	vadd.s32 v1, v3  }
0x1bd: {  	[tilespmem:s24], [sflag:$0x1] =	stream.indirect_vreg.gather [hbm4b:s3+s2], $0x80, v4, vm0, $0xb8;
	[tilespmem:$0x10200] =	vst v63  }
0x1be: {  	s25 =	simm.s32 $0x6A00  }
0x1bf: {  	[tilespmem:s25], [sflag:$0x1] =	stream.indirect_vreg.gather [hbm4b:s4+s2], $0x80, v4, vm0, $0xb8;
	[tilespmem:$0x10200] =	vst v63  }
0x1c0: {  	s26 =	simm.s32 $0x7200  }
0x1c1: {  	[tilespmem:s26], [sflag:$0x1] =	stream.indirect_vreg.gather [hbm4b:s3+s2], $0x80, v3, vm0, $0xb8;
	[tilespmem:$0x10200] =	vst v63  }
0x1c2: {  	s28 =	simm.s32 $0x7A00  }
0x1c3: {  	[tilespmem:s28], [sflag:$0x1] =	stream.indirect_vreg.gather [hbm4b:s4+s2], $0x80, v3, vm0, $0xb8;
	[tilespmem:$0x10200] =	vst v63  }
0x1c4: {  	_ =	swait.ge [sflag:s14], $0x8000  }
0x1c5: {  	[sflag:s14] =	ssyncset.done $0x0  }
0x1c6: {  	[sflag:s14] =	ssyncadd.s32 $0xFFFF8000  }
0x1c7: {  	v3 =	vld [tilespmem:$0x1C0];
	_ =	sdelay $0x4  }
0x1c8: {  	v60 =	vshll.u32 v3, $0x2  }
0x1c9: {  	v3 =	vand.u32 $0x7, v3;
	v4 =	vand.u32 $0xFFFFFFE0, v60  }
0x1ca: {  	v3 =	vor.u32 v3, v4  }
0x1cb: {  	v4 =	vperm.xlane v3, v0;
	_ =	sdelay $0x1  }
0x1cc: {  	v4 =	vadd.s32 v1, v4;
	_ =	sdelay $0x1  }
0x1cd: {  	v3 =	vperm.xlane v3, v2;
	_ =	sdelay $0x1  }
0x1ce: {  	s20 =	simm.s32 $0x8200;
	v3 =	vadd.s32 v1, v3  }
0x1cf: {  	[tilespmem:s20], [sflag:$0x2] =	stream.indirect_vreg.gather [hbm4b:s3+s2], $0x80, v4, vm0, $0xb8;
	[tilespmem:$0x10200] =	vst v63  }
0x1d0: {  	s29 =	simm.s32 $0x8A00  }
0x1d1: {  	[tilespmem:s29], [sflag:$0x2] =	stream.indirect_vreg.gather [hbm4b:s4+s2], $0x80, v4, vm0, $0xb8;
	[tilespmem:$0x10200] =	vst v63  }
0x1d2: {  	s6 =	simm.s32 $0x9200  }
0x1d3: {  	[tilespmem:s6], [sflag:$0x2] =	stream.indirect_vreg.gather [hbm4b:s3+s2], $0x80, v3, vm0, $0xb8;
	[tilespmem:$0x10200] =	vst v63  }
0x1d4: {  	s22 =	simm.s32 $0x9A00  }
0x1d5: {  	[tilespmem:s22], [sflag:$0x2] =	stream.indirect_vreg.gather [hbm4b:s4+s2], $0x80, v3, vm0, $0xb8;
	[tilespmem:$0x10200] =	vst v63  }
0x1d6: {  	v3 =	vld [tilespmem:$0x1D0];
	_ =	sdelay $0x4  }
0x1d7: {  	v61 =	vshll.u32 v3, $0x2  }
0x1d8: {  	v3 =	vand.u32 $0x7, v3;
	v4 =	vand.u32 $0xFFFFFFE0, v61  }
0x1d9: {  	v3 =	vor.u32 v3, v4  }
0x1da: {  	v4 =	vperm.xlane v3, v0;
	_ =	sdelay $0x1  }
0x1db: {  	v4 =	vadd.s32 v1, v4;
	_ =	sdelay $0x1  }
0x1dc: {  	v3 =	vperm.xlane v3, v2;
	_ =	sdelay $0x1  }
0x1dd: {  	s9 =	simm.s32 $0xA200;
	v3 =	vadd.s32 v1, v3  }
0x1de: {  	[tilespmem:s9], [sflag:$0x2] =	stream.indirect_vreg.gather [hbm4b:s3+s2], $0x80, v4, vm0, $0xb8;
	[tilespmem:$0x10200] =	vst v63  }
0x1df: {  	s10 =	simm.s32 $0xAA00  }
0x1e0: {  	[tilespmem:s10], [sflag:$0x2] =	stream.indirect_vreg.gather [hbm4b:s4+s2], $0x80, v4, vm0, $0xb8;
	[tilespmem:$0x10200] =	vst v63  }
0x1e1: {  	s11 =	simm.s32 $0xB200  }
0x1e2: {  	[tilespmem:s11], [sflag:$0x2] =	stream.indirect_vreg.gather [hbm4b:s3+s2], $0x80, v3, vm0, $0xb8;
	[tilespmem:$0x10200] =	vst v63  }
0x1e3: {  	s15 =	simm.s32 $0xBA00  }
0x1e4: {  	[tilespmem:s15], [sflag:$0x2] =	stream.indirect_vreg.gather [hbm4b:s4+s2], $0x80, v3, vm0, $0xb8;
	[tilespmem:$0x10200] =	vst v63  }
0x1e5: {  	v3 =	vld [tilespmem:$0x1E0];
	_ =	sdelay $0x4  }
0x1e6: {  	v62 =	vshll.u32 v3, $0x2  }
0x1e7: {  	v3 =	vand.u32 $0x7, v3;
	v4 =	vand.u32 $0xFFFFFFE0, v62  }
0x1e8: {  	v3 =	vor.u32 v3, v4  }
0x1e9: {  	v4 =	vperm.xlane v3, v0;
	_ =	sdelay $0x1  }
0x1ea: {  	v4 =	vadd.s32 v1, v4;
	_ =	sdelay $0x1  }
0x1eb: {  	v3 =	vperm.xlane v3, v2;
	_ =	sdelay $0x1  }
0x1ec: {  	s16 =	simm.s32 $0xC200;
	v3 =	vadd.s32 v1, v3  }
0x1ed: {  	[tilespmem:s16], [sflag:$0x2] =	stream.indirect_vreg.gather [hbm4b:s3+s2], $0x80, v4, vm0, $0xb8;
	[tilespmem:$0x10200] =	vst v63  }
0x1ee: {  	s19 =	simm.s32 $0xCA00  }
0x1ef: {  	[tilespmem:s19], [sflag:$0x2] =	stream.indirect_vreg.gather [hbm4b:s4+s2], $0x80, v4, vm0, $0xb8;
	[tilespmem:$0x10200] =	vst v63  }
0x1f0: {  	s1 =	simm.s32 $0xD200  }
0x1f1: {  	[tilespmem:s1], [sflag:$0x2] =	stream.indirect_vreg.gather [hbm4b:s3+s2], $0x80, v3, vm0, $0xb8;
	[tilespmem:$0x10200] =	vst v63  }
0x1f2: {  	s12 =	simm.s32 $0xDA00  }
0x1f3: {  	[tilespmem:s12], [sflag:$0x2] =	stream.indirect_vreg.gather [hbm4b:s4+s2], $0x80, v3, vm0, $0xb8;
	[tilespmem:$0x10200] =	vst v63  }
0x1f4: {  	v3 =	vld [tilespmem:$0x1F0];
	_ =	sdelay $0x4  }
0x1f5: {  	v63 =	vshll.u32 v3, $0x2  }
0x1f6: {  	v3 =	vand.u32 $0x7, v3;
	v4 =	vand.u32 $0xFFFFFFE0, v63  }
0x1f7: {  	v3 =	vor.u32 v3, v4  }
0x1f8: {  	v4 =	vperm.xlane v3, v0;
	_ =	sdelay $0x1  }
0x1f9: {  	v4 =	vadd.s32 v1, v4;
	_ =	sdelay $0x1  }
0x1fa: {  	v3 =	vperm.xlane v3, v2;
	_ =	sdelay $0x1  }
0x1fb: {  	s7 =	simm.s32 $0xE200;
	v3 =	vadd.s32 v1, v3  }
0x1fc: {  	[tilespmem:s7], [sflag:$0x2] =	stream.indirect_vreg.gather [hbm4b:s3+s2], $0x80, v4, vm0, $0xb8;
	[tilespmem:$0x10200] =	vst v63  }
0x1fd: {  	s17 =	simm.s32 $0xEA00  }
0x1fe: {  	[tilespmem:s17], [sflag:$0x2] =	stream.indirect_vreg.gather [hbm4b:s4+s2], $0x80, v4, vm0, $0xb8;
	[tilespmem:$0x10200] =	vst v63  }
0x1ff: {  	s8 =	simm.s32 $0xF200  }
0x200: {  	[tilespmem:s8], [sflag:$0x2] =	stream.indirect_vreg.gather [hbm4b:s3+s2], $0x80, v3, vm0, $0xb8;
	[tilespmem:$0x10200] =	vst v63  }
0x201: {  	s18 =	simm.s32 $0xFA00  }
0x202: {  	[tilespmem:s18], [sflag:$0x2] =	stream.indirect_vreg.gather [hbm4b:s4+s2], $0x80, v3, vm0, $0xb8;
	[tilespmem:$0x10200] =	vst v63  }
0x203: {  	_ =	swait.ge [sflag:s13], $0x8000  }
0x204: {  	[sflag:s13] =	ssyncset.done $0x0  }
0x205: {  	[sflag:s13] =	ssyncadd.s32 $0xFFFF8000  }
0x206: {  	_ =	swait.ge [sflag:s14], $0x8000  }
0x207: {  	p0 =	sne.s32 s5, $0x1;
	s31 =	simm.s32 $0x3;
	[sflag:s14] =	ssyncset.done $0x0  }
.Ltmp0:
0x208: {  	s30 =	rddreg [dreg:$0x5];
	[sflag:s14] =	ssyncadd.s32 $0xFFFF8000;
	(pc) =	sbr.rel @p0 .LBB2_1-.Ltmp0, $4  }
0x209: {  	[hbm4b:s30+s2] =	stream.linear.scatter [tilespmem:s21], [sflag:$0x3], $0x8000, $0x38;
	[tilespmem:$0x10200] =	vst v63  }
0x20a: {  	_ =	swait.ge [sflag:s31], $0x8000  }
0x20b: {  	[sflag:s31] =	ssyncset.done $0x0  }
0x20c: {  	s5 =	sadd.s32 $0xFFFFFFFF, s5;
	[sflag:s31] =	ssyncadd.s32 $0xFFFF8000  }
0x20d: {  	_ =	sfence.sel $0x180000  }
0x20e: {  	[bflag:$0x0] =	sbarrier.arrive $0xFFFF  }
0x20f: {  	_ =	strace $0x90000047  }
0x210: {  	s0 =	stileid.u32;
	[bflag:$0x2] =	sbarrier.arrive $0xFFFF  }
0x211: {  	p0 =	sne.s32 s0, $0x0;
	s0 =	rddreg [dreg:$0x3]  }
0x212: {  	s0 =	sadd.s32 @!p0 $0x100000, s0  }
0x213: {  	[sflag:s0] =	ssyncadd.tile.s32 @!p0 $0x1;
	_ =	shalt  }
.Lfunc_end2:
_tile_overlayer_lowered:
.L_overlay_start_2:
0x214: {  	(tag) =	ssettag $0x2  }
0x215: {  	s0 =	rddreg [dreg:$0x0];
	s2 =	stileid.u32  }
0x216: {  	s1 =	rddreg [dreg:$0x1];
	p0 =	sne.s32 s2, $0x0  }
0x217: {  	s3 =	rddreg [dreg:$0x2];
	[bflag:$0x3] =	sbarrier.arrive $0xFFFF;
	s2 =	simm.s32 @!p0 $0x1C04  }
0x218: {  	[timem:s3], [sflag:s2] =	dma.local @!p0 [hbm:s0], s1  }
0x219: {  	s0 =	simm.s32 @!p0 $0x4  }
0x21a: {  	_ =	swait.ge @!p0 [sflag:s0], s1  }
0x21b: {  	s1 =	ssub.s32 @!p0 $0x0, s1;
	[sflag:s0] =	ssyncset.done @!p0 $0x0  }
0x21c: {  	[sflag:s0] =	ssyncadd.s32 @!p0 s1  }
0x21d: {  	[bflag:$0x3] =	sbarrier.arrive $0xFFFF  }
0x21e: {  	_ =	shalt  }

</sc_bundles>
